<compile_context>
chip_gen: v7x
topology: tpu7x:2x2x1
jax: 0.10.2.dev20260603
libtpu: 0.0.44.dev20260713+nightly
codegen_flags: <defaults>
</compile_context>

<pallas_src>
import functools

import jax
import jax.numpy as jnp
from jax.experimental import pallas as pl

_EPS = 1e-6
_BN_EPS = 1e-5
_K = 20
_KPAD = 32
_NEG = -3.0e38


def _knn_kernel(xt_ref, idx_ref, *, n, k):
    xt = xt_ref[...]
    inner = jax.lax.dot_general(
        xt, xt, (((1,), (1,)), ((), ())), preferred_element_type=jnp.float32
    )
    xx = jnp.sum(xt * xt, axis=1, keepdims=True)
    pd = 2.0 * inner - xx - jnp.transpose(xx)
    col = jax.lax.broadcasted_iota(jnp.int32, (n, n), 1)
    lane = jax.lax.broadcasted_iota(jnp.int32, (n, _KPAD), 1)
    acc = jnp.zeros((n, _KPAD), dtype=jnp.int32)
    for j in range(k):
        m = jnp.max(pd, axis=1, keepdims=True)
        idx = jnp.min(jnp.where(pd >= m, col, n), axis=1, keepdims=True)
        acc = jnp.where(lane == j, idx, acc)
        pd = jnp.where(col == idx, _NEG, pd)
    idx_ref[...] = acc


def _knn_idx(xf):
    b, c, n = xf.shape
    cpad = max(128, ((c + 127) // 128) * 128)
    xt = jnp.swapaxes(xf, 1, 2)
    xt = jnp.pad(xt, ((0, 0), (0, 0), (0, cpad - c)))
    out = pl.pallas_call(
        functools.partial(_knn_kernel, n=n, k=_K),
        grid=(b,),
        in_specs=[pl.BlockSpec((None, n, cpad), lambda i: (i, 0, 0))],
        out_specs=pl.BlockSpec((None, n, _KPAD), lambda i: (i, 0, 0)),
        out_shape=jax.ShapeDtypeStruct((b, n, _KPAD), jnp.int32),
    )(xt)
    return out[:, :, :_K]


def _vn_linear(w, x):
    return jnp.moveaxis(jnp.tensordot(w, x, axes=([1], [1])), 0, 1)


def _vn_batchnorm(x, dim):
    norm = jnp.linalg.norm(x, axis=2) + _EPS
    if dim == 5:
        axes = (0, 2, 3)
    elif dim == 4:
        axes = (0, 2)
    else:
        axes = (0,)
    mean = jnp.mean(norm, axis=axes, keepdims=True)
    var = jnp.mean((norm - mean) ** 2, axis=axes, keepdims=True)
    norm_bn = (norm - mean) / jnp.sqrt(var + _BN_EPS)
    return x / jnp.expand_dims(norm, 2) * jnp.expand_dims(norm_bn, 2)


def _vn_lrelu(w, wd, x, dim, slope=0.2):
    p = _vn_batchnorm(_vn_linear(w, x), dim)
    d = _vn_linear(wd, x)
    dot = jnp.sum(p * d, axis=2, keepdims=True)
    mask = (dot >= 0).astype(x.dtype)
    dns = jnp.sum(d * d, axis=2, keepdims=True)
    return slope * p + (1.0 - slope) * (
        mask * p + (1.0 - mask) * (p - (dot / (dns + _EPS)) * d)
    )


def _graph_feature(x, k):
    b, n = x.shape[0], x.shape[3]
    xf = x.reshape(b, -1, n)
    idx = _knn_idx(xf)
    c = xf.shape[1] // 3
    xt = jnp.swapaxes(xf, 2, 1)
    feat = xt[jnp.arange(b)[:, None, None], idx].reshape(b, n, k, c, 3)
    xr = jnp.broadcast_to(xt.reshape(b, n, 1, c, 3), (b, n, k, c, 3))
    feat = jnp.concatenate([feat - xr, xr], axis=3)
    return jnp.transpose(feat, (0, 3, 4, 1, 2))


def kernel(x, c1W, c1D, c2W, c2D, c3W, c3D, c4W, c4D, c5W, c5D, l1W, l1D, l2W, l2D, l3W):
    h = x[:, None, :, :]
    h = _vn_lrelu(c1W, c1D, _graph_feature(h, _K), 5)
    x1 = jnp.mean(h, axis=-1)
    h = _vn_lrelu(c2W, c2D, _graph_feature(x1, _K), 5)
    x2 = jnp.mean(h, axis=-1)
    h = _vn_lrelu(c3W, c3D, _graph_feature(x2, _K), 5)
    x3 = jnp.mean(h, axis=-1)
    h = _vn_lrelu(c4W, c4D, _graph_feature(x3, _K), 5)
    x4 = jnp.mean(h, axis=-1)
    h = jnp.concatenate([x1, x2, x3, x4], axis=1)
    h = _vn_lrelu(c5W, c5D, h, 4)
    hm = jnp.broadcast_to(jnp.mean(h, axis=-1, keepdims=True), h.shape)
    h = jnp.concatenate([h, hm], axis=1)
    h = jnp.mean(h, axis=-1)
    h = _vn_lrelu(l1W, l1D, h, 3)
    h = _vn_lrelu(l2W, l2D, h, 3)
    h = _vn_linear(l3W, h)
    return jnp.swapaxes(h, -1, -2)

# --- scband reference (transcript-rebuilt; emitter-appended) ---
"""Pipeline reference for scband-vn-dgcnn-pose-67130338836886 (READ-ONLY COPY).

The authoritative reference and input builder live on the scoring server;
editing this copy changes nothing except your own understanding.
"""

import jax, jax.numpy as jnp
import numpy as np

EPS = 1e-6
BN_EPS = 1e-5
N_KNN = 20

def vn_linear(W, x):
    return jnp.moveaxis(jnp.tensordot(W, x, axes=([1], [1])), 0, 1)

def vn_batchnorm(x, dim):
    norm = jnp.linalg.norm(x, axis=2) + EPS
    if dim == 5:
        axes = (0, 2, 3)
    elif dim == 4:
        axes = (0, 2)
    else:
        axes = (0,)
    mean = jnp.mean(norm, axis=axes, keepdims=True)
    var = jnp.mean((norm - mean) ** 2, axis=axes, keepdims=True)
    norm_bn = (norm - mean) / jnp.sqrt(var + BN_EPS)
    return x / jnp.expand_dims(norm, 2) * jnp.expand_dims(norm_bn, 2)

def vn_lrelu(W, Wd, x, dim, slope=0.2):
    p = vn_batchnorm(vn_linear(W, x), dim)
    d = vn_linear(Wd, x)
    dot = jnp.sum(p * d, axis=2, keepdims=True)
    mask = (dot >= 0).astype(x.dtype)
    dns = jnp.sum(d * d, axis=2, keepdims=True)
    return slope * p + (1.0 - slope) * (mask * p + (1.0 - mask) * (p - (dot / (dns + EPS)) * d))

def knn(x, k):
    inner = -2.0 * jnp.matmul(jnp.swapaxes(x, 2, 1), x)
    xx = jnp.sum(x ** 2, axis=1, keepdims=True)
    pd = -xx - inner - jnp.swapaxes(xx, 2, 1)
    return jax.lax.top_k(pd, k)[1]

def get_graph_feature(x, k):
    B, N = x.shape[0], x.shape[3]
    xf = x.reshape(B, -1, N)
    idx = knn(xf, k)
    C = xf.shape[1] // 3
    xt = jnp.swapaxes(xf, 2, 1)
    feat = xt[jnp.arange(B)[:, None, None], idx].reshape(B, N, k, C, 3)
    xr = jnp.broadcast_to(xt.reshape(B, N, 1, C, 3), (B, N, k, C, 3))
    feat = jnp.concatenate([feat - xr, xr], axis=3)
    return jnp.transpose(feat, (0, 3, 4, 1, 2))

def mean_pool(x):
    return jnp.mean(x, axis=-1)

def _forward(x, c1W, c1D, c2W, c2D, c3W, c3D, c4W, c4D, c5W, c5D, l1W, l1D, l2W, l2D, l3W):
    h = x[:, None, :, :]
    h = vn_lrelu(c1W, c1D, get_graph_feature(h, N_KNN), 5)
    x1 = mean_pool(h)
    h = vn_lrelu(c2W, c2D, get_graph_feature(x1, N_KNN), 5)
    x2 = mean_pool(h)
    h = vn_lrelu(c3W, c3D, get_graph_feature(x2, N_KNN), 5)
    x3 = mean_pool(h)
    h = vn_lrelu(c4W, c4D, get_graph_feature(x3, N_KNN), 5)
    x4 = mean_pool(h)
    h = jnp.concatenate([x1, x2, x3, x4], axis=1)
    h = vn_lrelu(c5W, c5D, h, 4)
    hm = jnp.broadcast_to(jnp.mean(h, axis=-1, keepdims=True), h.shape)
    h = jnp.concatenate([h, hm], axis=1)
    h = mean_pool(h)
    h = vn_lrelu(l1W, l1D, h, 3)
    h = vn_lrelu(l2W, l2D, h, 3)
    h = vn_linear(l3W, h)
    return jnp.swapaxes(h, -1, -2)

def setup_inputs(seed: int = 0) -> dict:
    key = jax.random.key(seed)
    keys = jax.random.split(key, 16)
    def lin(k, o, i):
        b = 1.0 / np.sqrt(i)
        return jax.random.uniform(k, (o, i), minval=-b, maxval=b, dtype=jnp.float32)
    return {
        "x": jax.random.normal(keys[0], (4, 3, 1024), dtype=jnp.float32),
        "c1W": lin(keys[1], 21, 2), "c1D": lin(keys[2], 21, 2),
        "c2W": lin(keys[3], 21, 42), "c2D": lin(keys[4], 21, 42),
        "c3W": lin(keys[5], 42, 42), "c3D": lin(keys[6], 42, 42),
        "c4W": lin(keys[7], 85, 84), "c4D": lin(keys[8], 85, 84),
        "c5W": lin(keys[9], 341, 169), "c5D": lin(keys[10], 1, 169),
        "l1W": lin(keys[11], 512, 682), "l1D": lin(keys[12], 512, 682),
        "l2W": lin(keys[13], 256, 512), "l2D": lin(keys[14], 256, 512),
        "l3W": lin(keys[15], 3, 256),
    }

def reference(x, c1W, c1D, c2W, c2D, c3W, c3D, c4W, c4D, c5W, c5D, l1W, l1D, l2W, l2D, l3W):
    return _forward(x, c1W, c1D, c2W, c2D, c3W, c3D, c4W, c4D, c5W, c5D, l1W, l1D, l2W, l2D, l3W)

if __name__ == "__main__":
    import jax
    _d = setup_inputs()
    print(jax.jit(kernel)(*tuple(_d.values())))

</pallas_src>

<mosaic_0001>
module attributes {stable_mosaic.version = 14 : i64} {
  func.func @_knn_kernel(%arg0: i32, %arg1: memref<1x1024x128xf32, #tpu.memory_space<vmem>>, %arg2: memref<1x1024x32xi32, #tpu.memory_space<vmem>>) attributes {dimension_semantics = [#tpu.dimension_semantics<arbitrary>], iteration_bounds = array<i64: 4>, scalar_prefetch = 0 : i64, scratch_operands = 0 : i64, tpu.core_type = #tpu.core_type<tc>, window_params = [{transform_indices = @transform_0, window_bounds = array<i64: 1, 1024, 128>}, {transform_indices = @transform_1, window_bounds = array<i64: 1, 1024, 32>}]} {
    %get3A = arith.constant 0 : index
    %get3A_0 = arith.constant 0 : index
    %get3A_1 = arith.constant 0 : index
    %get3A_2 = vector.load %arg1[%get3A, %get3A_0, %get3A_1] : memref<1x1024x128xf32, #tpu.memory_space<vmem>>, vector<1x1024x128xf32>
    %get3A_3 = vector.shape_cast %get3A_2 : vector<1x1024x128xf32> to vector<1024x128xf32>
    %dot_general3A = arith.constant dense<0.000000e+00> : vector<1024x1024xf32>
    %dot_general3A_4 = tpu.matmul %get3A_3, %get3A_3, %dot_general3A {dimension_numbers = #tpu.dot_dimension_numbers<[1], [1], [0], [0], [0, 0, 1, 0], [], []>, transpose_lhs_hint = false} : vector<1024x128xf32>, vector<1024x128xf32>, vector<1024x1024xf32> -> vector<1024x1024xf32>
    %mul3A = arith.mulf %get3A_3, %get3A_3 : vector<1024x128xf32>
    %reduce_sum3A = arith.constant dense<0.000000e+00> : vector<1024xf32>
    %reduce_sum3A_5 = vector.multi_reduction <add>, %mul3A, %reduce_sum3A [1] : vector<1024x128xf32> to vector<1024xf32>
    %broadcast_in_dim3A = vector.shape_cast %reduce_sum3A_5 : vector<1024xf32> to vector<1024x1xf32>
    %mul3A_6 = arith.constant 2.000000e+00 : f32
    %mul3A_7 = vector.broadcast %mul3A_6 : f32 to vector<1024x1024xf32>
    %mul3A_8 = arith.mulf %mul3A_7, %dot_general3A_4 : vector<1024x1024xf32>
    %sub3A = vector.broadcast %broadcast_in_dim3A : vector<1024x1xf32> to vector<1024x1024xf32>
    %sub3A_9 = arith.subf %mul3A_8, %sub3A : vector<1024x1024xf32>
    %transpose3A = tpu.transpose %broadcast_in_dim3A, [1, 0] : vector<1024x1xf32> -> vector<1x1024xf32>
    %sub3A_10 = vector.broadcast %transpose3A : vector<1x1024xf32> to vector<1024x1024xf32>
    %sub3A_11 = arith.subf %sub3A_9, %sub3A_10 : vector<1024x1024xf32>
    %iota3A = tpu.iota {dimensions = array<i32: 1>} : vector<1024x1024xi32>
    %iota3A_12 = tpu.iota {dimensions = array<i32: 1>} : vector<1024x32xi32>
    %broadcast_in_dim3A_13 = arith.constant 0 : i32
    %broadcast_in_dim3A_14 = vector.broadcast %broadcast_in_dim3A_13 : i32 to vector<1024x32xi32>
    %reduce_max3A = arith.constant dense<0xFF800000> : vector<1024xf32>
    %reduce_max3A_15 = vector.multi_reduction <maximumf>, %sub3A_11, %reduce_max3A [1] : vector<1024x1024xf32> to vector<1024xf32>
    %broadcast_in_dim3A_16 = vector.shape_cast %reduce_max3A_15 : vector<1024xf32> to vector<1024x1xf32>
    %ge3A = vector.broadcast %broadcast_in_dim3A_16 : vector<1024x1xf32> to vector<1024x1024xf32>
    %ge3A_17 = arith.cmpf oge, %sub3A_11, %ge3A : vector<1024x1024xf32>
    %jit3A = arith.constant 1024 : i32
    %broadcast_in_dim3A_18 = vector.broadcast %jit3A : i32 to vector<1024x1024xi32>
    %select_n3A = arith.select %ge3A_17, %iota3A, %broadcast_in_dim3A_18 : vector<1024x1024xi1>, vector<1024x1024xi32>
    %reduce_min3A = arith.constant dense<2147483647> : vector<1024xi32>
    %reduce_min3A_19 = vector.multi_reduction <minsi>, %select_n3A, %reduce_min3A [1] : vector<1024x1024xi32> to vector<1024xi32>
    %broadcast_in_dim3A_20 = vector.shape_cast %reduce_min3A_19 : vector<1024xi32> to vector<1024x1xi32>
    %eq3A = arith.constant 0 : i32
    %eq3A_21 = vector.broadcast %eq3A : i32 to vector<1024x32xi32>
    %eq3A_22 = arith.cmpi eq, %iota3A_12, %eq3A_21 : vector<1024x32xi32>
    %broadcast_in_dim3A_23 = vector.shape_cast %broadcast_in_dim3A_20 : vector<1024x1xi32> to vector<1024x1xi32>
    %broadcast_in_dim3A_24 = vector.broadcast %broadcast_in_dim3A_23 : vector<1024x1xi32> to vector<1024x32xi32>
    %select_n3A_25 = arith.select %eq3A_22, %broadcast_in_dim3A_24, %broadcast_in_dim3A_14 : vector<1024x32xi1>, vector<1024x32xi32>
    %eq3A_26 = vector.broadcast %broadcast_in_dim3A_20 : vector<1024x1xi32> to vector<1024x1024xi32>
    %eq3A_27 = arith.cmpi eq, %iota3A, %eq3A_26 : vector<1024x1024xi32>
    %jit3A_28 = arith.constant -3.000000e+38 : f32
    %broadcast_in_dim3A_29 = vector.broadcast %jit3A_28 : f32 to vector<1024x1024xf32>
    %select_n3A_30 = arith.select %eq3A_27, %broadcast_in_dim3A_29, %sub3A_11 : vector<1024x1024xi1>, vector<1024x1024xf32>
    %reduce_max3A_31 = arith.constant dense<0xFF800000> : vector<1024xf32>
    %reduce_max3A_32 = vector.multi_reduction <maximumf>, %select_n3A_30, %reduce_max3A_31 [1] : vector<1024x1024xf32> to vector<1024xf32>
    %broadcast_in_dim3A_33 = vector.shape_cast %reduce_max3A_32 : vector<1024xf32> to vector<1024x1xf32>
    %ge3A_34 = vector.broadcast %broadcast_in_dim3A_33 : vector<1024x1xf32> to vector<1024x1024xf32>
    %ge3A_35 = arith.cmpf oge, %select_n3A_30, %ge3A_34 : vector<1024x1024xf32>
    %jit3A_36 = arith.constant 1024 : i32
    %broadcast_in_dim3A_37 = vector.broadcast %jit3A_36 : i32 to vector<1024x1024xi32>
    %select_n3A_38 = arith.select %ge3A_35, %iota3A, %broadcast_in_dim3A_37 : vector<1024x1024xi1>, vector<1024x1024xi32>
    %reduce_min3A_39 = arith.constant dense<2147483647> : vector<1024xi32>
    %reduce_min3A_40 = vector.multi_reduction <minsi>, %select_n3A_38, %reduce_min3A_39 [1] : vector<1024x1024xi32> to vector<1024xi32>
    %broadcast_in_dim3A_41 = vector.shape_cast %reduce_min3A_40 : vector<1024xi32> to vector<1024x1xi32>
    %eq3A_42 = arith.constant 1 : i32
    %eq3A_43 = vector.broadcast %eq3A_42 : i32 to vector<1024x32xi32>
    %eq3A_44 = arith.cmpi eq, %iota3A_12, %eq3A_43 : vector<1024x32xi32>
    %broadcast_in_dim3A_45 = vector.shape_cast %broadcast_in_dim3A_41 : vector<1024x1xi32> to vector<1024x1xi32>
    %broadcast_in_dim3A_46 = vector.broadcast %broadcast_in_dim3A_45 : vector<1024x1xi32> to vector<1024x32xi32>
    %select_n3A_47 = arith.select %eq3A_44, %broadcast_in_dim3A_46, %select_n3A_25 : vector<1024x32xi1>, vector<1024x32xi32>
    %eq3A_48 = vector.broadcast %broadcast_in_dim3A_41 : vector<1024x1xi32> to vector<1024x1024xi32>
    %eq3A_49 = arith.cmpi eq, %iota3A, %eq3A_48 : vector<1024x1024xi32>
    %jit3A_50 = arith.constant -3.000000e+38 : f32
    %broadcast_in_dim3A_51 = vector.broadcast %jit3A_50 : f32 to vector<1024x1024xf32>
    %select_n3A_52 = arith.select %eq3A_49, %broadcast_in_dim3A_51, %select_n3A_30 : vector<1024x1024xi1>, vector<1024x1024xf32>
    %reduce_max3A_53 = arith.constant dense<0xFF800000> : vector<1024xf32>
    %reduce_max3A_54 = vector.multi_reduction <maximumf>, %select_n3A_52, %reduce_max3A_53 [1] : vector<1024x1024xf32> to vector<1024xf32>
    %broadcast_in_dim3A_55 = vector.shape_cast %reduce_max3A_54 : vector<1024xf32> to vector<1024x1xf32>
    %ge3A_56 = vector.broadcast %broadcast_in_dim3A_55 : vector<1024x1xf32> to vector<1024x1024xf32>
    %ge3A_57 = arith.cmpf oge, %select_n3A_52, %ge3A_56 : vector<1024x1024xf32>
    %jit3A_58 = arith.constant 1024 : i32
    %broadcast_in_dim3A_59 = vector.broadcast %jit3A_58 : i32 to vector<1024x1024xi32>
    %select_n3A_60 = arith.select %ge3A_57, %iota3A, %broadcast_in_dim3A_59 : vector<1024x1024xi1>, vector<1024x1024xi32>
    %reduce_min3A_61 = arith.constant dense<2147483647> : vector<1024xi32>
    %reduce_min3A_62 = vector.multi_reduction <minsi>, %select_n3A_60, %reduce_min3A_61 [1] : vector<1024x1024xi32> to vector<1024xi32>
    %broadcast_in_dim3A_63 = vector.shape_cast %reduce_min3A_62 : vector<1024xi32> to vector<1024x1xi32>
    %eq3A_64 = arith.constant 2 : i32
    %eq3A_65 = vector.broadcast %eq3A_64 : i32 to vector<1024x32xi32>
    %eq3A_66 = arith.cmpi eq, %iota3A_12, %eq3A_65 : vector<1024x32xi32>
    %broadcast_in_dim3A_67 = vector.shape_cast %broadcast_in_dim3A_63 : vector<1024x1xi32> to vector<1024x1xi32>
    %broadcast_in_dim3A_68 = vector.broadcast %broadcast_in_dim3A_67 : vector<1024x1xi32> to vector<1024x32xi32>
    %select_n3A_69 = arith.select %eq3A_66, %broadcast_in_dim3A_68, %select_n3A_47 : vector<1024x32xi1>, vector<1024x32xi32>
    %eq3A_70 = vector.broadcast %broadcast_in_dim3A_63 : vector<1024x1xi32> to vector<1024x1024xi32>
    %eq3A_71 = arith.cmpi eq, %iota3A, %eq3A_70 : vector<1024x1024xi32>
    %jit3A_72 = arith.constant -3.000000e+38 : f32
    %broadcast_in_dim3A_73 = vector.broadcast %jit3A_72 : f32 to vector<1024x1024xf32>
    %select_n3A_74 = arith.select %eq3A_71, %broadcast_in_dim3A_73, %select_n3A_52 : vector<1024x1024xi1>, vector<1024x1024xf32>
    %reduce_max3A_75 = arith.constant dense<0xFF800000> : vector<1024xf32>
    %reduce_max3A_76 = vector.multi_reduction <maximumf>, %select_n3A_74, %reduce_max3A_75 [1] : vector<1024x1024xf32> to vector<1024xf32>
    %broadcast_in_dim3A_77 = vector.shape_cast %reduce_max3A_76 : vector<1024xf32> to vector<1024x1xf32>
    %ge3A_78 = vector.broadcast %broadcast_in_dim3A_77 : vector<1024x1xf32> to vector<1024x1024xf32>
    %ge3A_79 = arith.cmpf oge, %select_n3A_74, %ge3A_78 : vector<1024x1024xf32>
    %jit3A_80 = arith.constant 1024 : i32
    %broadcast_in_dim3A_81 = vector.broadcast %jit3A_80 : i32 to vector<1024x1024xi32>
    %select_n3A_82 = arith.select %ge3A_79, %iota3A, %broadcast_in_dim3A_81 : vector<1024x1024xi1>, vector<1024x1024xi32>
    %reduce_min3A_83 = arith.constant dense<2147483647> : vector<1024xi32>
    %reduce_min3A_84 = vector.multi_reduction <minsi>, %select_n3A_82, %reduce_min3A_83 [1] : vector<1024x1024xi32> to vector<1024xi32>
    %broadcast_in_dim3A_85 = vector.shape_cast %reduce_min3A_84 : vector<1024xi32> to vector<1024x1xi32>
    %eq3A_86 = arith.constant 3 : i32
    %eq3A_87 = vector.broadcast %eq3A_86 : i32 to vector<1024x32xi32>
    %eq3A_88 = arith.cmpi eq, %iota3A_12, %eq3A_87 : vector<1024x32xi32>
    %broadcast_in_dim3A_89 = vector.shape_cast %broadcast_in_dim3A_85 : vector<1024x1xi32> to vector<1024x1xi32>
    %broadcast_in_dim3A_90 = vector.broadcast %broadcast_in_dim3A_89 : vector<1024x1xi32> to vector<1024x32xi32>
    %select_n3A_91 = arith.select %eq3A_88, %broadcast_in_dim3A_90, %select_n3A_69 : vector<1024x32xi1>, vector<1024x32xi32>
    %eq3A_92 = vector.broadcast %broadcast_in_dim3A_85 : vector<1024x1xi32> to vector<1024x1024xi32>
    %eq3A_93 = arith.cmpi eq, %iota3A, %eq3A_92 : vector<1024x1024xi32>
    %jit3A_94 = arith.constant -3.000000e+38 : f32
    %broadcast_in_dim3A_95 = vector.broadcast %jit3A_94 : f32 to vector<1024x1024xf32>
    %select_n3A_96 = arith.select %eq3A_93, %broadcast_in_dim3A_95, %select_n3A_74 : vector<1024x1024xi1>, vector<1024x1024xf32>
    %reduce_max3A_97 = arith.constant dense<0xFF800000> : vector<1024xf32>
    %reduce_max3A_98 = vector.multi_reduction <maximumf>, %select_n3A_96, %reduce_max3A_97 [1] : vector<1024x1024xf32> to vector<1024xf32>
    %broadcast_in_dim3A_99 = vector.shape_cast %reduce_max3A_98 : vector<1024xf32> to vector<1024x1xf32>
    %ge3A_100 = vector.broadcast %broadcast_in_dim3A_99 : vector<1024x1xf32> to vector<1024x1024xf32>
    %ge3A_101 = arith.cmpf oge, %select_n3A_96, %ge3A_100 : vector<1024x1024xf32>
    %jit3A_102 = arith.constant 1024 : i32
    %broadcast_in_dim3A_103 = vector.broadcast %jit3A_102 : i32 to vector<1024x1024xi32>
    %select_n3A_104 = arith.select %ge3A_101, %iota3A, %broadcast_in_dim3A_103 : vector<1024x1024xi1>, vector<1024x1024xi32>
    %reduce_min3A_105 = arith.constant dense<2147483647> : vector<1024xi32>
    %reduce_min3A_106 = vector.multi_reduction <minsi>, %select_n3A_104, %reduce_min3A_105 [1] : vector<1024x1024xi32> to vector<1024xi32>
    %broadcast_in_dim3A_107 = vector.shape_cast %reduce_min3A_106 : vector<1024xi32> to vector<1024x1xi32>
    %eq3A_108 = arith.constant 4 : i32
    %eq3A_109 = vector.broadcast %eq3A_108 : i32 to vector<1024x32xi32>
    %eq3A_110 = arith.cmpi eq, %iota3A_12, %eq3A_109 : vector<1024x32xi32>
    %broadcast_in_dim3A_111 = vector.shape_cast %broadcast_in_dim3A_107 : vector<1024x1xi32> to vector<1024x1xi32>
    %broadcast_in_dim3A_112 = vector.broadcast %broadcast_in_dim3A_111 : vector<1024x1xi32> to vector<1024x32xi32>
    %select_n3A_113 = arith.select %eq3A_110, %broadcast_in_dim3A_112, %select_n3A_91 : vector<1024x32xi1>, vector<1024x32xi32>
    %eq3A_114 = vector.broadcast %broadcast_in_dim3A_107 : vector<1024x1xi32> to vector<1024x1024xi32>
    %eq3A_115 = arith.cmpi eq, %iota3A, %eq3A_114 : vector<1024x1024xi32>
    %jit3A_116 = arith.constant -3.000000e+38 : f32
    %broadcast_in_dim3A_117 = vector.broadcast %jit3A_116 : f32 to vector<1024x1024xf32>
    %select_n3A_118 = arith.select %eq3A_115, %broadcast_in_dim3A_117, %select_n3A_96 : vector<1024x1024xi1>, vector<1024x1024xf32>
    %reduce_max3A_119 = arith.constant dense<0xFF800000> : vector<1024xf32>
    %reduce_max3A_120 = vector.multi_reduction <maximumf>, %select_n3A_118, %reduce_max3A_119 [1] : vector<1024x1024xf32> to vector<1024xf32>
    %broadcast_in_dim3A_121 = vector.shape_cast %reduce_max3A_120 : vector<1024xf32> to vector<1024x1xf32>
    %ge3A_122 = vector.broadcast %broadcast_in_dim3A_121 : vector<1024x1xf32> to vector<1024x1024xf32>
    %ge3A_123 = arith.cmpf oge, %select_n3A_118, %ge3A_122 : vector<1024x1024xf32>
    %jit3A_124 = arith.constant 1024 : i32
    %broadcast_in_dim3A_125 = vector.broadcast %jit3A_124 : i32 to vector<1024x1024xi32>
    %select_n3A_126 = arith.select %ge3A_123, %iota3A, %broadcast_in_dim3A_125 : vector<1024x1024xi1>, vector<1024x1024xi32>
    %reduce_min3A_127 = arith.constant dense<2147483647> : vector<1024xi32>
    %reduce_min3A_128 = vector.multi_reduction <minsi>, %select_n3A_126, %reduce_min3A_127 [1] : vector<1024x1024xi32> to vector<1024xi32>
    %broadcast_in_dim3A_129 = vector.shape_cast %reduce_min3A_128 : vector<1024xi32> to vector<1024x1xi32>
    %eq3A_130 = arith.constant 5 : i32
    %eq3A_131 = vector.broadcast %eq3A_130 : i32 to vector<1024x32xi32>
    %eq3A_132 = arith.cmpi eq, %iota3A_12, %eq3A_131 : vector<1024x32xi32>
    %broadcast_in_dim3A_133 = vector.shape_cast %broadcast_in_dim3A_129 : vector<1024x1xi32> to vector<1024x1xi32>
    %broadcast_in_dim3A_134 = vector.broadcast %broadcast_in_dim3A_133 : vector<1024x1xi32> to vector<1024x32xi32>
    %select_n3A_135 = arith.select %eq3A_132, %broadcast_in_dim3A_134, %select_n3A_113 : vector<1024x32xi1>, vector<1024x32xi32>
    %eq3A_136 = vector.broadcast %broadcast_in_dim3A_129 : vector<1024x1xi32> to vector<1024x1024xi32>
    %eq3A_137 = arith.cmpi eq, %iota3A, %eq3A_136 : vector<1024x1024xi32>
    %jit3A_138 = arith.constant -3.000000e+38 : f32
    %broadcast_in_dim3A_139 = vector.broadcast %jit3A_138 : f32 to vector<1024x1024xf32>
    %select_n3A_140 = arith.select %eq3A_137, %broadcast_in_dim3A_139, %select_n3A_118 : vector<1024x1024xi1>, vector<1024x1024xf32>
    %reduce_max3A_141 = arith.constant dense<0xFF800000> : vector<1024xf32>
    %reduce_max3A_142 = vector.multi_reduction <maximumf>, %select_n3A_140, %reduce_max3A_141 [1] : vector<1024x1024xf32> to vector<1024xf32>
    %broadcast_in_dim3A_143 = vector.shape_cast %reduce_max3A_142 : vector<1024xf32> to vector<1024x1xf32>
    %ge3A_144 = vector.broadcast %broadcast_in_dim3A_143 : vector<1024x1xf32> to vector<1024x1024xf32>
    %ge3A_145 = arith.cmpf oge, %select_n3A_140, %ge3A_144 : vector<1024x1024xf32>
    %jit3A_146 = arith.constant 1024 : i32
    %broadcast_in_dim3A_147 = vector.broadcast %jit3A_146 : i32 to vector<1024x1024xi32>
    %select_n3A_148 = arith.select %ge3A_145, %iota3A, %broadcast_in_dim3A_147 : vector<1024x1024xi1>, vector<1024x1024xi32>
    %reduce_min3A_149 = arith.constant dense<2147483647> : vector<1024xi32>
    %reduce_min3A_150 = vector.multi_reduction <minsi>, %select_n3A_148, %reduce_min3A_149 [1] : vector<1024x1024xi32> to vector<1024xi32>
    %broadcast_in_dim3A_151 = vector.shape_cast %reduce_min3A_150 : vector<1024xi32> to vector<1024x1xi32>
    %eq3A_152 = arith.constant 6 : i32
    %eq3A_153 = vector.broadcast %eq3A_152 : i32 to vector<1024x32xi32>
    %eq3A_154 = arith.cmpi eq, %iota3A_12, %eq3A_153 : vector<1024x32xi32>
    %broadcast_in_dim3A_155 = vector.shape_cast %broadcast_in_dim3A_151 : vector<1024x1xi32> to vector<1024x1xi32>
    %broadcast_in_dim3A_156 = vector.broadcast %broadcast_in_dim3A_155 : vector<1024x1xi32> to vector<1024x32xi32>
    %select_n3A_157 = arith.select %eq3A_154, %broadcast_in_dim3A_156, %select_n3A_135 : vector<1024x32xi1>, vector<1024x32xi32>
    %eq3A_158 = vector.broadcast %broadcast_in_dim3A_151 : vector<1024x1xi32> to vector<1024x1024xi32>
    %eq3A_159 = arith.cmpi eq, %iota3A, %eq3A_158 : vector<1024x1024xi32>
    %jit3A_160 = arith.constant -3.000000e+38 : f32
    %broadcast_in_dim3A_161 = vector.broadcast %jit3A_160 : f32 to vector<1024x1024xf32>
    %select_n3A_162 = arith.select %eq3A_159, %broadcast_in_dim3A_161, %select_n3A_140 : vector<1024x1024xi1>, vector<1024x1024xf32>
    %reduce_max3A_163 = arith.constant dense<0xFF800000> : vector<1024xf32>
    %reduce_max3A_164 = vector.multi_reduction <maximumf>, %select_n3A_162, %reduce_max3A_163 [1] : vector<1024x1024xf32> to vector<1024xf32>
    %broadcast_in_dim3A_165 = vector.shape_cast %reduce_max3A_164 : vector<1024xf32> to vector<1024x1xf32>
    %ge3A_166 = vector.broadcast %broadcast_in_dim3A_165 : vector<1024x1xf32> to vector<1024x1024xf32>
    %ge3A_167 = arith.cmpf oge, %select_n3A_162, %ge3A_166 : vector<1024x1024xf32>
    %jit3A_168 = arith.constant 1024 : i32
    %broadcast_in_dim3A_169 = vector.broadcast %jit3A_168 : i32 to vector<1024x1024xi32>
    %select_n3A_170 = arith.select %ge3A_167, %iota3A, %broadcast_in_dim3A_169 : vector<1024x1024xi1>, vector<1024x1024xi32>
    %reduce_min3A_171 = arith.constant dense<2147483647> : vector<1024xi32>
    %reduce_min3A_172 = vector.multi_reduction <minsi>, %select_n3A_170, %reduce_min3A_171 [1] : vector<1024x1024xi32> to vector<1024xi32>
    %broadcast_in_dim3A_173 = vector.shape_cast %reduce_min3A_172 : vector<1024xi32> to vector<1024x1xi32>
    %eq3A_174 = arith.constant 7 : i32
    %eq3A_175 = vector.broadcast %eq3A_174 : i32 to vector<1024x32xi32>
    %eq3A_176 = arith.cmpi eq, %iota3A_12, %eq3A_175 : vector<1024x32xi32>
    %broadcast_in_dim3A_177 = vector.shape_cast %broadcast_in_dim3A_173 : vector<1024x1xi32> to vector<1024x1xi32>
    %broadcast_in_dim3A_178 = vector.broadcast %broadcast_in_dim3A_177 : vector<1024x1xi32> to vector<1024x32xi32>
    %select_n3A_179 = arith.select %eq3A_176, %broadcast_in_dim3A_178, %select_n3A_157 : vector<1024x32xi1>, vector<1024x32xi32>
    %eq3A_180 = vector.broadcast %broadcast_in_dim3A_173 : vector<1024x1xi32> to vector<1024x1024xi32>
    %eq3A_181 = arith.cmpi eq, %iota3A, %eq3A_180 : vector<1024x1024xi32>
    %jit3A_182 = arith.constant -3.000000e+38 : f32
    %broadcast_in_dim3A_183 = vector.broadcast %jit3A_182 : f32 to vector<1024x1024xf32>
    %select_n3A_184 = arith.select %eq3A_181, %broadcast_in_dim3A_183, %select_n3A_162 : vector<1024x1024xi1>, vector<1024x1024xf32>
    %reduce_max3A_185 = arith.constant dense<0xFF800000> : vector<1024xf32>
    %reduce_max3A_186 = vector.multi_reduction <maximumf>, %select_n3A_184, %reduce_max3A_185 [1] : vector<1024x1024xf32> to vector<1024xf32>
    %broadcast_in_dim3A_187 = vector.shape_cast %reduce_max3A_186 : vector<1024xf32> to vector<1024x1xf32>
    %ge3A_188 = vector.broadcast %broadcast_in_dim3A_187 : vector<1024x1xf32> to vector<1024x1024xf32>
    %ge3A_189 = arith.cmpf oge, %select_n3A_184, %ge3A_188 : vector<1024x1024xf32>
    %jit3A_190 = arith.constant 1024 : i32
    %broadcast_in_dim3A_191 = vector.broadcast %jit3A_190 : i32 to vector<1024x1024xi32>
    %select_n3A_192 = arith.select %ge3A_189, %iota3A, %broadcast_in_dim3A_191 : vector<1024x1024xi1>, vector<1024x1024xi32>
    %reduce_min3A_193 = arith.constant dense<2147483647> : vector<1024xi32>
    %reduce_min3A_194 = vector.multi_reduction <minsi>, %select_n3A_192, %reduce_min3A_193 [1] : vector<1024x1024xi32> to vector<1024xi32>
    %broadcast_in_dim3A_195 = vector.shape_cast %reduce_min3A_194 : vector<1024xi32> to vector<1024x1xi32>
    %eq3A_196 = arith.constant 8 : i32
    %eq3A_197 = vector.broadcast %eq3A_196 : i32 to vector<1024x32xi32>
    %eq3A_198 = arith.cmpi eq, %iota3A_12, %eq3A_197 : vector<1024x32xi32>
    %broadcast_in_dim3A_199 = vector.shape_cast %broadcast_in_dim3A_195 : vector<1024x1xi32> to vector<1024x1xi32>
    %broadcast_in_dim3A_200 = vector.broadcast %broadcast_in_dim3A_199 : vector<1024x1xi32> to vector<1024x32xi32>
    %select_n3A_201 = arith.select %eq3A_198, %broadcast_in_dim3A_200, %select_n3A_179 : vector<1024x32xi1>, vector<1024x32xi32>
    %eq3A_202 = vector.broadcast %broadcast_in_dim3A_195 : vector<1024x1xi32> to vector<1024x1024xi32>
    %eq3A_203 = arith.cmpi eq, %iota3A, %eq3A_202 : vector<1024x1024xi32>
    %jit3A_204 = arith.constant -3.000000e+38 : f32
    %broadcast_in_dim3A_205 = vector.broadcast %jit3A_204 : f32 to vector<1024x1024xf32>
    %select_n3A_206 = arith.select %eq3A_203, %broadcast_in_dim3A_205, %select_n3A_184 : vector<1024x1024xi1>, vector<1024x1024xf32>
    %reduce_max3A_207 = arith.constant dense<0xFF800000> : vector<1024xf32>
    %reduce_max3A_208 = vector.multi_reduction <maximumf>, %select_n3A_206, %reduce_max3A_207 [1] : vector<1024x1024xf32> to vector<1024xf32>
    %broadcast_in_dim3A_209 = vector.shape_cast %reduce_max3A_208 : vector<1024xf32> to vector<1024x1xf32>
    %ge3A_210 = vector.broadcast %broadcast_in_dim3A_209 : vector<1024x1xf32> to vector<1024x1024xf32>
    %ge3A_211 = arith.cmpf oge, %select_n3A_206, %ge3A_210 : vector<1024x1024xf32>
    %jit3A_212 = arith.constant 1024 : i32
    %broadcast_in_dim3A_213 = vector.broadcast %jit3A_212 : i32 to vector<1024x1024xi32>
    %select_n3A_214 = arith.select %ge3A_211, %iota3A, %broadcast_in_dim3A_213 : vector<1024x1024xi1>, vector<1024x1024xi32>
    %reduce_min3A_215 = arith.constant dense<2147483647> : vector<1024xi32>
    %reduce_min3A_216 = vector.multi_reduction <minsi>, %select_n3A_214, %reduce_min3A_215 [1] : vector<1024x1024xi32> to vector<1024xi32>
    %broadcast_in_dim3A_217 = vector.shape_cast %reduce_min3A_216 : vector<1024xi32> to vector<1024x1xi32>
    %eq3A_218 = arith.constant 9 : i32
    %eq3A_219 = vector.broadcast %eq3A_218 : i32 to vector<1024x32xi32>
    %eq3A_220 = arith.cmpi eq, %iota3A_12, %eq3A_219 : vector<1024x32xi32>
    %broadcast_in_dim3A_221 = vector.shape_cast %broadcast_in_dim3A_217 : vector<1024x1xi32> to vector<1024x1xi32>
    %broadcast_in_dim3A_222 = vector.broadcast %broadcast_in_dim3A_221 : vector<1024x1xi32> to vector<1024x32xi32>
    %select_n3A_223 = arith.select %eq3A_220, %broadcast_in_dim3A_222, %select_n3A_201 : vector<1024x32xi1>, vector<1024x32xi32>
    %eq3A_224 = vector.broadcast %broadcast_in_dim3A_217 : vector<1024x1xi32> to vector<1024x1024xi32>
    %eq3A_225 = arith.cmpi eq, %iota3A, %eq3A_224 : vector<1024x1024xi32>
    %jit3A_226 = arith.constant -3.000000e+38 : f32
    %broadcast_in_dim3A_227 = vector.broadcast %jit3A_226 : f32 to vector<1024x1024xf32>
    %select_n3A_228 = arith.select %eq3A_225, %broadcast_in_dim3A_227, %select_n3A_206 : vector<1024x1024xi1>, vector<1024x1024xf32>
    %reduce_max3A_229 = arith.constant dense<0xFF800000> : vector<1024xf32>
    %reduce_max3A_230 = vector.multi_reduction <maximumf>, %select_n3A_228, %reduce_max3A_229 [1] : vector<1024x1024xf32> to vector<1024xf32>
    %broadcast_in_dim3A_231 = vector.shape_cast %reduce_max3A_230 : vector<1024xf32> to vector<1024x1xf32>
    %ge3A_232 = vector.broadcast %broadcast_in_dim3A_231 : vector<1024x1xf32> to vector<1024x1024xf32>
    %ge3A_233 = arith.cmpf oge, %select_n3A_228, %ge3A_232 : vector<1024x1024xf32>
    %jit3A_234 = arith.constant 1024 : i32
    %broadcast_in_dim3A_235 = vector.broadcast %jit3A_234 : i32 to vector<1024x1024xi32>
    %select_n3A_236 = arith.select %ge3A_233, %iota3A, %broadcast_in_dim3A_235 : vector<1024x1024xi1>, vector<1024x1024xi32>
    %reduce_min3A_237 = arith.constant dense<2147483647> : vector<1024xi32>
    %reduce_min3A_238 = vector.multi_reduction <minsi>, %select_n3A_236, %reduce_min3A_237 [1] : vector<1024x1024xi32> to vector<1024xi32>
    %broadcast_in_dim3A_239 = vector.shape_cast %reduce_min3A_238 : vector<1024xi32> to vector<1024x1xi32>
    %eq3A_240 = arith.constant 10 : i32
    %eq3A_241 = vector.broadcast %eq3A_240 : i32 to vector<1024x32xi32>
    %eq3A_242 = arith.cmpi eq, %iota3A_12, %eq3A_241 : vector<1024x32xi32>
    %broadcast_in_dim3A_243 = vector.shape_cast %broadcast_in_dim3A_239 : vector<1024x1xi32> to vector<1024x1xi32>
    %broadcast_in_dim3A_244 = vector.broadcast %broadcast_in_dim3A_243 : vector<1024x1xi32> to vector<1024x32xi32>
    %select_n3A_245 = arith.select %eq3A_242, %broadcast_in_dim3A_244, %select_n3A_223 : vector<1024x32xi1>, vector<1024x32xi32>
    %eq3A_246 = vector.broadcast %broadcast_in_dim3A_239 : vector<1024x1xi32> to vector<1024x1024xi32>
    %eq3A_247 = arith.cmpi eq, %iota3A, %eq3A_246 : vector<1024x1024xi32>
    %jit3A_248 = arith.constant -3.000000e+38 : f32
    %broadcast_in_dim3A_249 = vector.broadcast %jit3A_248 : f32 to vector<1024x1024xf32>
    %select_n3A_250 = arith.select %eq3A_247, %broadcast_in_dim3A_249, %select_n3A_228 : vector<1024x1024xi1>, vector<1024x1024xf32>
    %reduce_max3A_251 = arith.constant dense<0xFF800000> : vector<1024xf32>
    %reduce_max3A_252 = vector.multi_reduction <maximumf>, %select_n3A_250, %reduce_max3A_251 [1] : vector<1024x1024xf32> to vector<1024xf32>
    %broadcast_in_dim3A_253 = vector.shape_cast %reduce_max3A_252 : vector<1024xf32> to vector<1024x1xf32>
    %ge3A_254 = vector.broadcast %broadcast_in_dim3A_253 : vector<1024x1xf32> to vector<1024x1024xf32>
    %ge3A_255 = arith.cmpf oge, %select_n3A_250, %ge3A_254 : vector<1024x1024xf32>
    %jit3A_256 = arith.constant 1024 : i32
    %broadcast_in_dim3A_257 = vector.broadcast %jit3A_256 : i32 to vector<1024x1024xi32>
    %select_n3A_258 = arith.select %ge3A_255, %iota3A, %broadcast_in_dim3A_257 : vector<1024x1024xi1>, vector<1024x1024xi32>
    %reduce_min3A_259 = arith.constant dense<2147483647> : vector<1024xi32>
    %reduce_min3A_260 = vector.multi_reduction <minsi>, %select_n3A_258, %reduce_min3A_259 [1] : vector<1024x1024xi32> to vector<1024xi32>
    %broadcast_in_dim3A_261 = vector.shape_cast %reduce_min3A_260 : vector<1024xi32> to vector<1024x1xi32>
    %eq3A_262 = arith.constant 11 : i32
    %eq3A_263 = vector.broadcast %eq3A_262 : i32 to vector<1024x32xi32>
    %eq3A_264 = arith.cmpi eq, %iota3A_12, %eq3A_263 : vector<1024x32xi32>
    %broadcast_in_dim3A_265 = vector.shape_cast %broadcast_in_dim3A_261 : vector<1024x1xi32> to vector<1024x1xi32>
    %broadcast_in_dim3A_266 = vector.broadcast %broadcast_in_dim3A_265 : vector<1024x1xi32> to vector<1024x32xi32>
    %select_n3A_267 = arith.select %eq3A_264, %broadcast_in_dim3A_266, %select_n3A_245 : vector<1024x32xi1>, vector<1024x32xi32>
    %eq3A_268 = vector.broadcast %broadcast_in_dim3A_261 : vector<1024x1xi32> to vector<1024x1024xi32>
    %eq3A_269 = arith.cmpi eq, %iota3A, %eq3A_268 : vector<1024x1024xi32>
    %jit3A_270 = arith.constant -3.000000e+38 : f32
    %broadcast_in_dim3A_271 = vector.broadcast %jit3A_270 : f32 to vector<1024x1024xf32>
    %select_n3A_272 = arith.select %eq3A_269, %broadcast_in_dim3A_271, %select_n3A_250 : vector<1024x1024xi1>, vector<1024x1024xf32>
    %reduce_max3A_273 = arith.constant dense<0xFF800000> : vector<1024xf32>
    %reduce_max3A_274 = vector.multi_reduction <maximumf>, %select_n3A_272, %reduce_max3A_273 [1] : vector<1024x1024xf32> to vector<1024xf32>
    %broadcast_in_dim3A_275 = vector.shape_cast %reduce_max3A_274 : vector<1024xf32> to vector<1024x1xf32>
    %ge3A_276 = vector.broadcast %broadcast_in_dim3A_275 : vector<1024x1xf32> to vector<1024x1024xf32>
    %ge3A_277 = arith.cmpf oge, %select_n3A_272, %ge3A_276 : vector<1024x1024xf32>
    %jit3A_278 = arith.constant 1024 : i32
    %broadcast_in_dim3A_279 = vector.broadcast %jit3A_278 : i32 to vector<1024x1024xi32>
    %select_n3A_280 = arith.select %ge3A_277, %iota3A, %broadcast_in_dim3A_279 : vector<1024x1024xi1>, vector<1024x1024xi32>
    %reduce_min3A_281 = arith.constant dense<2147483647> : vector<1024xi32>
    %reduce_min3A_282 = vector.multi_reduction <minsi>, %select_n3A_280, %reduce_min3A_281 [1] : vector<1024x1024xi32> to vector<1024xi32>
    %broadcast_in_dim3A_283 = vector.shape_cast %reduce_min3A_282 : vector<1024xi32> to vector<1024x1xi32>
    %eq3A_284 = arith.constant 12 : i32
    %eq3A_285 = vector.broadcast %eq3A_284 : i32 to vector<1024x32xi32>
    %eq3A_286 = arith.cmpi eq, %iota3A_12, %eq3A_285 : vector<1024x32xi32>
    %broadcast_in_dim3A_287 = vector.shape_cast %broadcast_in_dim3A_283 : vector<1024x1xi32> to vector<1024x1xi32>
    %broadcast_in_dim3A_288 = vector.broadcast %broadcast_in_dim3A_287 : vector<1024x1xi32> to vector<1024x32xi32>
    %select_n3A_289 = arith.select %eq3A_286, %broadcast_in_dim3A_288, %select_n3A_267 : vector<1024x32xi1>, vector<1024x32xi32>
    %eq3A_290 = vector.broadcast %broadcast_in_dim3A_283 : vector<1024x1xi32> to vector<1024x1024xi32>
    %eq3A_291 = arith.cmpi eq, %iota3A, %eq3A_290 : vector<1024x1024xi32>
    %jit3A_292 = arith.constant -3.000000e+38 : f32
    %broadcast_in_dim3A_293 = vector.broadcast %jit3A_292 : f32 to vector<1024x1024xf32>
    %select_n3A_294 = arith.select %eq3A_291, %broadcast_in_dim3A_293, %select_n3A_272 : vector<1024x1024xi1>, vector<1024x1024xf32>
    %reduce_max3A_295 = arith.constant dense<0xFF800000> : vector<1024xf32>
    %reduce_max3A_296 = vector.multi_reduction <maximumf>, %select_n3A_294, %reduce_max3A_295 [1] : vector<1024x1024xf32> to vector<1024xf32>
    %broadcast_in_dim3A_297 = vector.shape_cast %reduce_max3A_296 : vector<1024xf32> to vector<1024x1xf32>
    %ge3A_298 = vector.broadcast %broadcast_in_dim3A_297 : vector<1024x1xf32> to vector<1024x1024xf32>
    %ge3A_299 = arith.cmpf oge, %select_n3A_294, %ge3A_298 : vector<1024x1024xf32>
    %jit3A_300 = arith.constant 1024 : i32
    %broadcast_in_dim3A_301 = vector.broadcast %jit3A_300 : i32 to vector<1024x1024xi32>
    %select_n3A_302 = arith.select %ge3A_299, %iota3A, %broadcast_in_dim3A_301 : vector<1024x1024xi1>, vector<1024x1024xi32>
    %reduce_min3A_303 = arith.constant dense<2147483647> : vector<1024xi32>
    %reduce_min3A_304 = vector.multi_reduction <minsi>, %select_n3A_302, %reduce_min3A_303 [1] : vector<1024x1024xi32> to vector<1024xi32>
    %broadcast_in_dim3A_305 = vector.shape_cast %reduce_min3A_304 : vector<1024xi32> to vector<1024x1xi32>
    %eq3A_306 = arith.constant 13 : i32
    %eq3A_307 = vector.broadcast %eq3A_306 : i32 to vector<1024x32xi32>
    %eq3A_308 = arith.cmpi eq, %iota3A_12, %eq3A_307 : vector<1024x32xi32>
    %broadcast_in_dim3A_309 = vector.shape_cast %broadcast_in_dim3A_305 : vector<1024x1xi32> to vector<1024x1xi32>
    %broadcast_in_dim3A_310 = vector.broadcast %broadcast_in_dim3A_309 : vector<1024x1xi32> to vector<1024x32xi32>
    %select_n3A_311 = arith.select %eq3A_308, %broadcast_in_dim3A_310, %select_n3A_289 : vector<1024x32xi1>, vector<1024x32xi32>
    %eq3A_312 = vector.broadcast %broadcast_in_dim3A_305 : vector<1024x1xi32> to vector<1024x1024xi32>
    %eq3A_313 = arith.cmpi eq, %iota3A, %eq3A_312 : vector<1024x1024xi32>
    %jit3A_314 = arith.constant -3.000000e+38 : f32
    %broadcast_in_dim3A_315 = vector.broadcast %jit3A_314 : f32 to vector<1024x1024xf32>
    %select_n3A_316 = arith.select %eq3A_313, %broadcast_in_dim3A_315, %select_n3A_294 : vector<1024x1024xi1>, vector<1024x1024xf32>
    %reduce_max3A_317 = arith.constant dense<0xFF800000> : vector<1024xf32>
    %reduce_max3A_318 = vector.multi_reduction <maximumf>, %select_n3A_316, %reduce_max3A_317 [1] : vector<1024x1024xf32> to vector<1024xf32>
    %broadcast_in_dim3A_319 = vector.shape_cast %reduce_max3A_318 : vector<1024xf32> to vector<1024x1xf32>
    %ge3A_320 = vector.broadcast %broadcast_in_dim3A_319 : vector<1024x1xf32> to vector<1024x1024xf32>
    %ge3A_321 = arith.cmpf oge, %select_n3A_316, %ge3A_320 : vector<1024x1024xf32>
    %jit3A_322 = arith.constant 1024 : i32
    %broadcast_in_dim3A_323 = vector.broadcast %jit3A_322 : i32 to vector<1024x1024xi32>
    %select_n3A_324 = arith.select %ge3A_321, %iota3A, %broadcast_in_dim3A_323 : vector<1024x1024xi1>, vector<1024x1024xi32>
    %reduce_min3A_325 = arith.constant dense<2147483647> : vector<1024xi32>
    %reduce_min3A_326 = vector.multi_reduction <minsi>, %select_n3A_324, %reduce_min3A_325 [1] : vector<1024x1024xi32> to vector<1024xi32>
    %broadcast_in_dim3A_327 = vector.shape_cast %reduce_min3A_326 : vector<1024xi32> to vector<1024x1xi32>
    %eq3A_328 = arith.constant 14 : i32
    %eq3A_329 = vector.broadcast %eq3A_328 : i32 to vector<1024x32xi32>
    %eq3A_330 = arith.cmpi eq, %iota3A_12, %eq3A_329 : vector<1024x32xi32>
    %broadcast_in_dim3A_331 = vector.shape_cast %broadcast_in_dim3A_327 : vector<1024x1xi32> to vector<1024x1xi32>
    %broadcast_in_dim3A_332 = vector.broadcast %broadcast_in_dim3A_331 : vector<1024x1xi32> to vector<1024x32xi32>
    %select_n3A_333 = arith.select %eq3A_330, %broadcast_in_dim3A_332, %select_n3A_311 : vector<1024x32xi1>, vector<1024x32xi32>
    %eq3A_334 = vector.broadcast %broadcast_in_dim3A_327 : vector<1024x1xi32> to vector<1024x1024xi32>
    %eq3A_335 = arith.cmpi eq, %iota3A, %eq3A_334 : vector<1024x1024xi32>
    %jit3A_336 = arith.constant -3.000000e+38 : f32
    %broadcast_in_dim3A_337 = vector.broadcast %jit3A_336 : f32 to vector<1024x1024xf32>
    %select_n3A_338 = arith.select %eq3A_335, %broadcast_in_dim3A_337, %select_n3A_316 : vector<1024x1024xi1>, vector<1024x1024xf32>
    %reduce_max3A_339 = arith.constant dense<0xFF800000> : vector<1024xf32>
    %reduce_max3A_340 = vector.multi_reduction <maximumf>, %select_n3A_338, %reduce_max3A_339 [1] : vector<1024x1024xf32> to vector<1024xf32>
    %broadcast_in_dim3A_341 = vector.shape_cast %reduce_max3A_340 : vector<1024xf32> to vector<1024x1xf32>
    %ge3A_342 = vector.broadcast %broadcast_in_dim3A_341 : vector<1024x1xf32> to vector<1024x1024xf32>
    %ge3A_343 = arith.cmpf oge, %select_n3A_338, %ge3A_342 : vector<1024x1024xf32>
    %jit3A_344 = arith.constant 1024 : i32
    %broadcast_in_dim3A_345 = vector.broadcast %jit3A_344 : i32 to vector<1024x1024xi32>
    %select_n3A_346 = arith.select %ge3A_343, %iota3A, %broadcast_in_dim3A_345 : vector<1024x1024xi1>, vector<1024x1024xi32>
    %reduce_min3A_347 = arith.constant dense<2147483647> : vector<1024xi32>
    %reduce_min3A_348 = vector.multi_reduction <minsi>, %select_n3A_346, %reduce_min3A_347 [1] : vector<1024x1024xi32> to vector<1024xi32>
    %broadcast_in_dim3A_349 = vector.shape_cast %reduce_min3A_348 : vector<1024xi32> to vector<1024x1xi32>
    %eq3A_350 = arith.constant 15 : i32
    %eq3A_351 = vector.broadcast %eq3A_350 : i32 to vector<1024x32xi32>
    %eq3A_352 = arith.cmpi eq, %iota3A_12, %eq3A_351 : vector<1024x32xi32>
    %broadcast_in_dim3A_353 = vector.shape_cast %broadcast_in_dim3A_349 : vector<1024x1xi32> to vector<1024x1xi32>
    %broadcast_in_dim3A_354 = vector.broadcast %broadcast_in_dim3A_353 : vector<1024x1xi32> to vector<1024x32xi32>
    %select_n3A_355 = arith.select %eq3A_352, %broadcast_in_dim3A_354, %select_n3A_333 : vector<1024x32xi1>, vector<1024x32xi32>
    %eq3A_356 = vector.broadcast %broadcast_in_dim3A_349 : vector<1024x1xi32> to vector<1024x1024xi32>
    %eq3A_357 = arith.cmpi eq, %iota3A, %eq3A_356 : vector<1024x1024xi32>
    %jit3A_358 = arith.constant -3.000000e+38 : f32
    %broadcast_in_dim3A_359 = vector.broadcast %jit3A_358 : f32 to vector<1024x1024xf32>
    %select_n3A_360 = arith.select %eq3A_357, %broadcast_in_dim3A_359, %select_n3A_338 : vector<1024x1024xi1>, vector<1024x1024xf32>
    %reduce_max3A_361 = arith.constant dense<0xFF800000> : vector<1024xf32>
    %reduce_max3A_362 = vector.multi_reduction <maximumf>, %select_n3A_360, %reduce_max3A_361 [1] : vector<1024x1024xf32> to vector<1024xf32>
    %broadcast_in_dim3A_363 = vector.shape_cast %reduce_max3A_362 : vector<1024xf32> to vector<1024x1xf32>
    %ge3A_364 = vector.broadcast %broadcast_in_dim3A_363 : vector<1024x1xf32> to vector<1024x1024xf32>
    %ge3A_365 = arith.cmpf oge, %select_n3A_360, %ge3A_364 : vector<1024x1024xf32>
    %jit3A_366 = arith.constant 1024 : i32
    %broadcast_in_dim3A_367 = vector.broadcast %jit3A_366 : i32 to vector<1024x1024xi32>
    %select_n3A_368 = arith.select %ge3A_365, %iota3A, %broadcast_in_dim3A_367 : vector<1024x1024xi1>, vector<1024x1024xi32>
    %reduce_min3A_369 = arith.constant dense<2147483647> : vector<1024xi32>
    %reduce_min3A_370 = vector.multi_reduction <minsi>, %select_n3A_368, %reduce_min3A_369 [1] : vector<1024x1024xi32> to vector<1024xi32>
    %broadcast_in_dim3A_371 = vector.shape_cast %reduce_min3A_370 : vector<1024xi32> to vector<1024x1xi32>
    %eq3A_372 = arith.constant 16 : i32
    %eq3A_373 = vector.broadcast %eq3A_372 : i32 to vector<1024x32xi32>
    %eq3A_374 = arith.cmpi eq, %iota3A_12, %eq3A_373 : vector<1024x32xi32>
    %broadcast_in_dim3A_375 = vector.shape_cast %broadcast_in_dim3A_371 : vector<1024x1xi32> to vector<1024x1xi32>
    %broadcast_in_dim3A_376 = vector.broadcast %broadcast_in_dim3A_375 : vector<1024x1xi32> to vector<1024x32xi32>
    %select_n3A_377 = arith.select %eq3A_374, %broadcast_in_dim3A_376, %select_n3A_355 : vector<1024x32xi1>, vector<1024x32xi32>
    %eq3A_378 = vector.broadcast %broadcast_in_dim3A_371 : vector<1024x1xi32> to vector<1024x1024xi32>
    %eq3A_379 = arith.cmpi eq, %iota3A, %eq3A_378 : vector<1024x1024xi32>
    %jit3A_380 = arith.constant -3.000000e+38 : f32
    %broadcast_in_dim3A_381 = vector.broadcast %jit3A_380 : f32 to vector<1024x1024xf32>
    %select_n3A_382 = arith.select %eq3A_379, %broadcast_in_dim3A_381, %select_n3A_360 : vector<1024x1024xi1>, vector<1024x1024xf32>
    %reduce_max3A_383 = arith.constant dense<0xFF800000> : vector<1024xf32>
    %reduce_max3A_384 = vector.multi_reduction <maximumf>, %select_n3A_382, %reduce_max3A_383 [1] : vector<1024x1024xf32> to vector<1024xf32>
    %broadcast_in_dim3A_385 = vector.shape_cast %reduce_max3A_384 : vector<1024xf32> to vector<1024x1xf32>
    %ge3A_386 = vector.broadcast %broadcast_in_dim3A_385 : vector<1024x1xf32> to vector<1024x1024xf32>
    %ge3A_387 = arith.cmpf oge, %select_n3A_382, %ge3A_386 : vector<1024x1024xf32>
    %jit3A_388 = arith.constant 1024 : i32
    %broadcast_in_dim3A_389 = vector.broadcast %jit3A_388 : i32 to vector<1024x1024xi32>
    %select_n3A_390 = arith.select %ge3A_387, %iota3A, %broadcast_in_dim3A_389 : vector<1024x1024xi1>, vector<1024x1024xi32>
    %reduce_min3A_391 = arith.constant dense<2147483647> : vector<1024xi32>
    %reduce_min3A_392 = vector.multi_reduction <minsi>, %select_n3A_390, %reduce_min3A_391 [1] : vector<1024x1024xi32> to vector<1024xi32>
    %broadcast_in_dim3A_393 = vector.shape_cast %reduce_min3A_392 : vector<1024xi32> to vector<1024x1xi32>
    %eq3A_394 = arith.constant 17 : i32
    %eq3A_395 = vector.broadcast %eq3A_394 : i32 to vector<1024x32xi32>
    %eq3A_396 = arith.cmpi eq, %iota3A_12, %eq3A_395 : vector<1024x32xi32>
    %broadcast_in_dim3A_397 = vector.shape_cast %broadcast_in_dim3A_393 : vector<1024x1xi32> to vector<1024x1xi32>
    %broadcast_in_dim3A_398 = vector.broadcast %broadcast_in_dim3A_397 : vector<1024x1xi32> to vector<1024x32xi32>
    %select_n3A_399 = arith.select %eq3A_396, %broadcast_in_dim3A_398, %select_n3A_377 : vector<1024x32xi1>, vector<1024x32xi32>
    %eq3A_400 = vector.broadcast %broadcast_in_dim3A_393 : vector<1024x1xi32> to vector<1024x1024xi32>
    %eq3A_401 = arith.cmpi eq, %iota3A, %eq3A_400 : vector<1024x1024xi32>
    %jit3A_402 = arith.constant -3.000000e+38 : f32
    %broadcast_in_dim3A_403 = vector.broadcast %jit3A_402 : f32 to vector<1024x1024xf32>
    %select_n3A_404 = arith.select %eq3A_401, %broadcast_in_dim3A_403, %select_n3A_382 : vector<1024x1024xi1>, vector<1024x1024xf32>
    %reduce_max3A_405 = arith.constant dense<0xFF800000> : vector<1024xf32>
    %reduce_max3A_406 = vector.multi_reduction <maximumf>, %select_n3A_404, %reduce_max3A_405 [1] : vector<1024x1024xf32> to vector<1024xf32>
    %broadcast_in_dim3A_407 = vector.shape_cast %reduce_max3A_406 : vector<1024xf32> to vector<1024x1xf32>
    %ge3A_408 = vector.broadcast %broadcast_in_dim3A_407 : vector<1024x1xf32> to vector<1024x1024xf32>
    %ge3A_409 = arith.cmpf oge, %select_n3A_404, %ge3A_408 : vector<1024x1024xf32>
    %jit3A_410 = arith.constant 1024 : i32
    %broadcast_in_dim3A_411 = vector.broadcast %jit3A_410 : i32 to vector<1024x1024xi32>
    %select_n3A_412 = arith.select %ge3A_409, %iota3A, %broadcast_in_dim3A_411 : vector<1024x1024xi1>, vector<1024x1024xi32>
    %reduce_min3A_413 = arith.constant dense<2147483647> : vector<1024xi32>
    %reduce_min3A_414 = vector.multi_reduction <minsi>, %select_n3A_412, %reduce_min3A_413 [1] : vector<1024x1024xi32> to vector<1024xi32>
    %broadcast_in_dim3A_415 = vector.shape_cast %reduce_min3A_414 : vector<1024xi32> to vector<1024x1xi32>
    %eq3A_416 = arith.constant 18 : i32
    %eq3A_417 = vector.broadcast %eq3A_416 : i32 to vector<1024x32xi32>
    %eq3A_418 = arith.cmpi eq, %iota3A_12, %eq3A_417 : vector<1024x32xi32>
    %broadcast_in_dim3A_419 = vector.shape_cast %broadcast_in_dim3A_415 : vector<1024x1xi32> to vector<1024x1xi32>
    %broadcast_in_dim3A_420 = vector.broadcast %broadcast_in_dim3A_419 : vector<1024x1xi32> to vector<1024x32xi32>
    %select_n3A_421 = arith.select %eq3A_418, %broadcast_in_dim3A_420, %select_n3A_399 : vector<1024x32xi1>, vector<1024x32xi32>
    %eq3A_422 = vector.broadcast %broadcast_in_dim3A_415 : vector<1024x1xi32> to vector<1024x1024xi32>
    %eq3A_423 = arith.cmpi eq, %iota3A, %eq3A_422 : vector<1024x1024xi32>
    %jit3A_424 = arith.constant -3.000000e+38 : f32
    %broadcast_in_dim3A_425 = vector.broadcast %jit3A_424 : f32 to vector<1024x1024xf32>
    %select_n3A_426 = arith.select %eq3A_423, %broadcast_in_dim3A_425, %select_n3A_404 : vector<1024x1024xi1>, vector<1024x1024xf32>
    %reduce_max3A_427 = arith.constant dense<0xFF800000> : vector<1024xf32>
    %reduce_max3A_428 = vector.multi_reduction <maximumf>, %select_n3A_426, %reduce_max3A_427 [1] : vector<1024x1024xf32> to vector<1024xf32>
    %broadcast_in_dim3A_429 = vector.shape_cast %reduce_max3A_428 : vector<1024xf32> to vector<1024x1xf32>
    %ge3A_430 = vector.broadcast %broadcast_in_dim3A_429 : vector<1024x1xf32> to vector<1024x1024xf32>
    %ge3A_431 = arith.cmpf oge, %select_n3A_426, %ge3A_430 : vector<1024x1024xf32>
    %jit3A_432 = arith.constant 1024 : i32
    %broadcast_in_dim3A_433 = vector.broadcast %jit3A_432 : i32 to vector<1024x1024xi32>
    %select_n3A_434 = arith.select %ge3A_431, %iota3A, %broadcast_in_dim3A_433 : vector<1024x1024xi1>, vector<1024x1024xi32>
    %reduce_min3A_435 = arith.constant dense<2147483647> : vector<1024xi32>
    %reduce_min3A_436 = vector.multi_reduction <minsi>, %select_n3A_434, %reduce_min3A_435 [1] : vector<1024x1024xi32> to vector<1024xi32>
    %broadcast_in_dim3A_437 = vector.shape_cast %reduce_min3A_436 : vector<1024xi32> to vector<1024x1xi32>
    %eq3A_438 = arith.constant 19 : i32
    %eq3A_439 = vector.broadcast %eq3A_438 : i32 to vector<1024x32xi32>
    %eq3A_440 = arith.cmpi eq, %iota3A_12, %eq3A_439 : vector<1024x32xi32>
    %broadcast_in_dim3A_441 = vector.shape_cast %broadcast_in_dim3A_437 : vector<1024x1xi32> to vector<1024x1xi32>
    %broadcast_in_dim3A_442 = vector.broadcast %broadcast_in_dim3A_441 : vector<1024x1xi32> to vector<1024x32xi32>
    %select_n3A_443 = arith.select %eq3A_440, %broadcast_in_dim3A_442, %select_n3A_421 : vector<1024x32xi1>, vector<1024x32xi32>
    %swap3A = arith.constant 0 : index
    %swap3A_444 = arith.constant 0 : index
    %swap3A_445 = arith.constant 0 : index
    %swap3A_446 = vector.load %arg2[%swap3A, %swap3A_444, %swap3A_445] : memref<1x1024x32xi32, #tpu.memory_space<vmem>>, vector<1x1024x32xi32>
    %swap3A_447 = vector.shape_cast %swap3A_446 : vector<1x1024x32xi32> to vector<1024x32xi32>
    %swap3A_448 = vector.shape_cast %select_n3A_443 : vector<1024x32xi32> to vector<1x1024x32xi32>
    tpu.vector_store %arg2[%swap3A, %swap3A_444, %swap3A_445], %swap3A_448 {strides = array<i32>} : memref<1x1024x32xi32, #tpu.memory_space<vmem>>, vector<1x1024x32xi32>,
    return
  }
  func.func @transform_0(%arg0: i32) -> (i32, i32, i32) {
    %c0_i32 = arith.constant 0 : i32
    %c0_i32_0 = arith.constant 0 : i32
    %c0_i32_1 = arith.constant 0 : i32
    return %arg0, %c0_i32, %c0_i32_0 : i32, i32, i32
  }
  func.func @transform_1(%arg0: i32) -> (i32, i32, i32) {
    %c0_i32 = arith.constant 0 : i32
    %c0_i32_0 = arith.constant 0 : i32
    %c0_i32_1 = arith.constant 0 : i32
    return %arg0, %c0_i32, %c0_i32_0 : i32, i32, i32
  }
}

</mosaic_0001>

<sc_bundles>
// kernel: sparse-core-data-format-call.1.cloned.1.call-start
scs
called_computation.1_lowered:
.L_overlay_start_0:
0x0: {  	s1 =	sld [smem:$0x3FD9]  }
0x1: {  	s2 =	sld [smem:$0x3FFE];
	_ =	sdelay $0x1  }
0x2: {  	s3 =	srdreg.scid  }
0x3: {  	s0 =	sand.u32 $0x1, s3  }
0x4: {  	s17 =	sshll.u32 s0, $0xA;
	s1 =	sadd.s32 s2, s1  }
0x5: {  	s1 =	sadd.s32 s1, s17  }
0x6: {  	[smem:$0x3FB8] =	sst s1  }
0x7: {  	_ = 	snop  }
0x8: {  	(tm) =	ssettm $0x1  }
0x9: {  	s18 =	sld [smem:$0x3FFB];
	_ =	sdelay $0x3  }
0xa: {  	_ =	strace s18  }
0xb: {  	s1 =	sld [smem:$0x3FFC];
	_ =	sdelay $0x3  }
0xc: {  	_ =	strace s1  }
0xd: {  	s1 =	sld [smem:$0x3FFD];
	_ =	sdelay $0x3  }
0xe: {  	_ =	strace s1  }
0xf: {  	_ =	strace $0x8FFFFFFF  }
0x10: {  	s19 =	sld [smem:$0x3FDB];
	_ =	sdelay $0x1  }
0x11: {  	s20 =	simm.s32 $_scs_section_size  }
0x12: {  	s4 =	simm.s32 $_size__tile_overlayer_lowered;
	s5 =	simm.s32 $_tile_overlayer_lowered  }
0x13: {  	s23 =	simm.s32 $0x1BFF;
	s22 =	sshll.u32 s5, $0x1;
	s1 =	sadd.s32 s20, s19  }
0x14: {  	s6 =	simm.s32 $0x0;
	s21 =	sshll.u32 s4, $0x1;
	s4 =	sadd.s32 s22, s1  }
0x15: {  	[timem:s6], [sflag:s23] =	dma.local [hbm:s4], s21  }
0x16: {  	_ =	swait.ge [sflag:s23], s21  }
0x17: {  	s2 =	ssub.s32 $0x0, s21;
	[sflag:s23] =	ssyncset.done $0x0  }
0x18: {  	[sflag:s23] =	ssyncadd.s32 s2;
	_ =	sdelay $0x1  }
0x19: {  	s24 =	simm.s32 $0x1B8B  }
0x1a: {  	_ =	swait.ge [sflag:s24], $0x1  }
0x1b: {  	[sflag:s24] =	ssyncset.done $0x0  }
0x1c: {  	s26 =	simm.s32 $0x1B8E;
	s25 =	sld [smem:$0x3FFE];
	[sflag:s24] =	ssyncadd.s32 $0xFFFFFFFF  }
0x1d: {  	s27 =	simm.s32 $execute0_lowered;
	[smem:$0x3FD2] =	sst s26  }
0x1e: {  	s4 =	sshll.u32 s27, $0x1;
	_ =	strace $0x80000046;
	[dreg:$0x1] =	wrdreg $0xFFFFFFFF  }
0x1f: {  	s28 =	simm.s32 $_size_execute0_lowered;
	s1 =	sadd.s32 s1, s4;
	[dreg:$0x0] =	wrdreg $0x0  }
0x20: {  	s4 =	sshll.u32 s28, $0x1;
	[dreg:$0x2] =	wrdreg s1  }
0x21: {  	[dreg:$0x3] =	wrdreg s4  }
0x22: {  	[dreg:$0x4] =	wrdreg $0xC0  }
0x23: {  	_ =	task [dreg:s6], $0x5FFFF  }
0x24: {  	[dreg:$0x1] =	wrdreg $0xFFFFFFFF  }
0x25: {  	[dreg:$0x0] =	wrdreg $0x60  }
0x26: {  	[dreg:$0x2] =	wrdreg s25  }
0x27: {  	[dreg:$0x3] =	wrdreg $0x9  }
0x28: {  	_ =	task.clear_ibuf [dreg:s6], $0x4FFFF;
	_ =	strace $0x90000046  }
0x29: {  	s29 =	simm.s32 $0x9;
	_ =	strace $0x80000048  }
0x2a: {  	_ =	swait.ge [sflag:s29], $0x1  }
0x2b: {  	[sflag:s29] =	ssyncadd.s32 $0xFFFFFFFF  }
0x2c: {  	_ =	strace $0x90000048  }
0x2d: {  	_ =	sfence  }
0x2e: {  	s30 =	sld [smem:$0x0];
	_ =	sdelay $0x2  }
0x2f: {  	s31 =	sshll.u32 s3, $0xD;
	s3 =	sshrl.u32 s3, $0x2  }
0x30: {  	s2 =	sand.u32 $0x4000, s31;
	s1 =	sadd.s32 s3, s30  }
0x31: {  	s0 =	sor.u32 s2, s0;
	s1 =	sshll.u32 s1, $0x11  }
0x32: {  	s0 =	sor.u32 s1, s0  }
0x33: {  	s0 =	sadd.s32 $0x8F2B, s0  }
0x34: {  	[sflag:s0] =	ssyncadd.remote.s32 $0x1  }
0x35: {  	_ =	sfence.sel $0xFFFF  }
0x36: {  	[dreg:$0x0] =	wrdreg $0xFFFFFFFF;
	(pc) =	sbr.abs _section_cstart, $3  }
0x37: {  	[dreg:$0x1] =	wrdreg $0xFFFFFFFF  }
0x38: {  	_ =	task.clear_ibuf [dreg:s6], $0x2FFFF;
	_ =	strace $0x9FFFFFFF  }
0x39: {  	(tm) =	ssettm $0x7FFFFFFF  }
tec
execute0_lowered:
.L_overlay_start_1:
0x0: {  	(tag) =	ssettag $0x1  }
0x1: {  	s0 =	srdreg.scid  }
0x2: {  	s1 =	sshll.u32 s0, $0x4  }
0x3: {  	s4 =	rddreg [dreg:$0x0];
	s0 =	stileid.u32;
	s1 =	sand.u32 $0x10, s1  }
0x4: {  	s7 =	simm.s32 $0x1;
	s8 =	simm.s32 $0x2;
	s1 =	sor.u32 s0, s1  }
0x5: {  	s11 =	simm.s32 $0x0;
	s10 =	simm.s32 $0x0;
	s2 =	sshll.u32 s1, $0x7  }
0x6: {  	s3 =	sadd.s32 $0x34000, s4;
	s4 =	sadd.s32 $0x174000, s4;
	s6 =	ssub.s32 $0x14000, s2  }
.Ltmp0:
0x7: {  	s1 =	rddreg [dreg:$0x1];
	s5 =	sand.u32 $0xF80, s6;
	(pc) =	sbr.rel .LBB1_1-.Ltmp0, $4  }
0x8: {  	_ =	strace $0x80000047;
	s9 =	smov.u32 s2;
	p0 =	sne.s32 s5, $0x0  }
0x9: {  	s6 =	sshrl.u32 s6, $0xC;
	s5 =	simm.s32 $0x1;
	s7 =	simm.s32 @!p0 $0x0  }
0xa: {  	[sflag:s5] =	ssyncpa.u1 $0x0;
	p0 =	por $0x0, $0x0;
	s6 =	sadd.s32 s7, s6  }
0xb: {  	[sflag:s8] =	ssyncpa.u1 $0x0;
	s8 =	simm.s32 $0xA0000;
	s7 =	sadd.s32 $0x1, s6  }
.LBB1_4:
0xc: {  	v5 =	vld [tilespmem:s15+$0xFFFFFFD0];
	[tilespmem:s14+$0x2040 ss:$0x81] =	vst.msk $0xffff, v3;
	s17 =	sshll.u32 s11, $0x3  }
0xd: {  	v58 =	vld [tilespmem:s15+$0xFFFFFFE0];
	[tilespmem:s14+$0x2850 ss:$0x81] =	vst.msk $0xffff, v4;
	s25 =	sand.u32 $0x7F, s11;
	s18 =	sand.u32 $0xFFFFFC00, s17  }
0xe: {  	s16 =	sshra.s32 s16, $0x2;
	v59 =	vld [tilespmem:s15+$0xFFFFFFF0];
	[tilespmem:s14+$0x3060 ss:$0x81] =	vst.msk $0xffff, v2;
	s11 =	sor.u32 s25, s18  }
0xf: {  	v60 =	vld [tilespmem:s15+$0x0];
	[tilespmem:s14+$0x0 ss:$0x81] =	vst.msk $0xffff, v0;
	s13 =	sadd.s32 s16, s13;
	s26 =	smulhi.u32 $0xCCCCCCCD, s11  }
0x10: {  	v61 =	vld [tilespmem:s15+$0x10];
	s27 =	smulhi.u32 $0xCCCCCCCD, s17;
	[tilespmem:s13+$0x3870 ss:$0x81] =	vst.msk $0xffff, v1  }
0x11: {  	v62 =	vld [tilespmem:s15+$0x20];
	[tilespmem:s13+$0x810 ss:$0x81] =	vst.msk $0xffff, v5;
	s14 =	sshrl.u32 s26, $0x10  }
0x12: {  	v63 =	vld [tilespmem:s15+$0xFFFFFFC0];
	s28 =	sshrl.u32 s27, $0x10;
	[tilespmem:s13+$0x1020 ss:$0x81] =	vst.msk $0xffff, v58;
	s14 =	smul.u32 $0x14000, s14  }
0x13: {  	s15 =	sand.u32 $0x7F, s28;
	[tilespmem:s13+$0x1830 ss:$0x81] =	vst.msk $0xffff, v59  }
0x14: {  	[tilespmem:s13+$0x2040 ss:$0x81] =	vst.msk $0xffff, v60;
	s29 =	smul.u32 $0x2800, s15;
	s11 =	ssub.s32 s11, s14  }
0x15: {  	[tilespmem:s13+$0x2850 ss:$0x81] =	vst.msk $0xffff, v61;
	s30 =	sand.u32 $0x7, s11  }
0x16: {  	[tilespmem:s13+$0x3060 ss:$0x81] =	vst.msk $0xffff, v62;
	s14 =	sadd.s32 s4, s29;
	s11 =	sshrl.u32 s11, $0x3;
	s15 =	sshll.u32 s30, $0x12  }
0x17: {  	[tilespmem:s13+$0x0 ss:$0x81] =	vst.msk $0xffff, v63;
	s11 =	sadd.s32 s11, s14;
	s31 =	sor.u32 $0x400, s15  }
0x18: {  	[hbm4b:s11+s31] =	stream.strided.scatter [tilespmem:s12], [sflag:$0x2], $0x4000, s8, s31, $0x20;
	[tilespmem:$0x10100] =	vst v63  }
.LBB1_5:
0x19: {  	s13 =	sadd.s32 $0x1000, s9  }
0x1a: {  	p2 =	sgt.s32 s13, $0x13FFF  }
0x1b: {  	s13 =	smov.u32 @p2 s2;
	p2 =	sne.s32 s10, s7  }
.Ltmp1:
0x1c: {  	p1 =	slt.u32 s10, $0x2;
	(pc) =	sbr.rel @!p2 .LBB1_6-.Ltmp1, $4  }
0x1d: {  	s12 =	simm.s32 @!p1 $0x2  }
0x1e: {  	s14 =	sadd.s32 $0x1, s10;
	_ =	swait.ge @!p1 [sflag:s12], $0x4000  }
0x1f: {  	s11 =	smov.u32 s9;
	p0 =	por !p0, !p0;
	[sflag:s12] =	ssyncset.done @!p1 $0x0  }
0x20: {  	s10 =	smov.u32 s14;
	s9 =	smov.u32 s13;
	[sflag:s12] =	ssyncadd.s32 @!p1 $0xFFFFC000  }
.LBB1_1:
0x21: {  	p1 =	sge.u32 s10, s6  }
0x22: {  	s12 =	sand.u32 @!p1 $0x1FFFFFF, s9  }
0x23: {  	s13 =	smulhi.u32 @!p1 $0xCCCCCD, s12;
	_ =	sdelay $0x1  }
0x24: {  	s13 =	sshrl.u32 @!p1 s13, $0x8  }
0x25: {  	s13 =	smul.u32 @!p1 $0x14000, s13;
	_ =	sdelay $0x1  }
0x26: {  	s14 =	sxor.u32 @!p1 $0xFFFFFFFF, s10;
	s12 =	ssub.s32 @!p1 s12, s13  }
0x27: {  	s31 =	sadd.s32 $0xFFFFFFFF, s10;
	s13 =	sshll.u32 @!p1 s14, $0xE;
	s12 =	sshll.u32 @!p1 s12, $0x4  }
0x28: {  	s14 =	simm.s32 @!p1 $0x0;
	s13 =	sand.u32 @!p1 $0x4000, s13;
	s12 =	sadd.s32 @!p1 s3, s12  }
0x29: {  	[tilespmem:s13], [sflag:$0x1] =	stream.linear.gather @!p1 [hbm4b:s12+s14], $0x4000, $0x38;
	[tilespmem:$0x10100] =	vst v63  }
0x2a: {  	p1 =	sge.u32 s31, s6  }
.Ltmp2:
0x2b: {  	_ = 	snop;
	(pc) =	sbr.rel @p1 .LBB1_5-.Ltmp2, $1  }
0x2c: {  	_ =	sdelay $0x3  }
0x2d: {  	s12 =	simm.s32 $0x1  }
0x2e: {  	_ =	swait.ge [sflag:s5], $0x4000;
	s12 =	simm.s32 @!p0 $0x0  }
0x2f: {  	[sflag:s5] =	ssyncset.done $0x0;
	s13 =	sshll.u32 s12, $0xE  }
0x30: {  	[sflag:s5] =	ssyncadd.s32 $0xFFFFC000;
	s15 =	sor.u32 $0x40, s13  }
0x31: {  	s12 =	smul.u32 $0x10200, s12;
	v0 =	vld [tilespmem:s15+$0x30]  }
0x32: {  	v1 =	vld [tilespmem:s15+$0xFFFFFFD0]  }
0x33: {  	s12 =	sshrl.u32 s12, $0x2;
	v5 =	vld [tilespmem:s15+$0xFFFFFFE0]  }
0x34: {  	v6 =	vld [tilespmem:s15+$0xFFFFFFF0];
	s13 =	sor.u32 $0x8000, s12  }
0x35: {  	s31 =	sand.u32 $0x1, s10;
	v3 =	vld [tilespmem:s15+$0x0];
	s14 =	sadd.s32 $0x0, s13  }
0x36: {  	v4 =	vld [tilespmem:s15+$0x10];
	s12 =	smul.u32 $0x10200, s31;
	[tilespmem:s14+$0x3870 ss:$0x81] =	vst.msk $0xffff, v0  }
0x37: {  	v2 =	vld [tilespmem:s15+$0x20];
	[tilespmem:s14+$0x810 ss:$0x81] =	vst.msk $0xffff, v1  }
0x38: {  	s12 =	sshrl.u32 s12, $0x2;
	v0 =	vld [tilespmem:s15+$0xFFFFFFC0];
	[tilespmem:s14+$0x1020 ss:$0x81] =	vst.msk $0xffff, v5;
	s15 =	sadd.s32 $0x80, s15  }
0x39: {  	s16 =	simm.s32 $0x4;
	s17 =	simm.s32 $0x8;
	s12 =	sor.u32 $0x8000, s12;
	[tilespmem:s14+$0x1830 ss:$0x81] =	vst.msk $0xffff, v6;
	v1 =	vld [tilespmem:s15+$0x30]  }
.LBB1_3:
0x3a: {  	p1 =	sne.s32 s17, $0x1FC;
	v5 =	vld [tilespmem:s15+$0xFFFFFFD0];
	[tilespmem:s14+$0x2040 ss:$0x81] =	vst.msk $0xffff, v3  }
0x3b: {  	v6 =	vld [tilespmem:s15+$0xFFFFFFE0];
	[tilespmem:s14+$0x2850 ss:$0x81] =	vst.msk $0xffff, v4  }
0x3c: {  	s18 =	sshra.s32 s16, $0x2;
	s16 =	smov.u32 s17;
	v7 =	vld [tilespmem:s15+$0xFFFFFFF0];
	[tilespmem:s14+$0x3060 ss:$0x81] =	vst.msk $0xffff, v2  }
.Ltmp3:
0x3d: {  	v3 =	vld [tilespmem:s15+$0x0];
	[tilespmem:s14+$0x0 ss:$0x81] =	vst.msk $0xffff, v0;
	s14 =	sadd.s32 s18, s13;
	(pc) =	sbr.rel @p1 .LBB1_3-.Ltmp3, $4  }
0x3e: {  	v4 =	vld [tilespmem:s15+$0x10];
	[tilespmem:s14+$0x3870 ss:$0x81] =	vst.msk $0xffff, v1  }
0x3f: {  	[tilespmem:s14+$0x810 ss:$0x81] =	vst.msk $0xffff, v5;
	v2 =	vld [tilespmem:s15+$0x20]  }
0x40: {  	v0 =	vld [tilespmem:s15+$0xFFFFFFC0];
	[tilespmem:s14+$0x1020 ss:$0x81] =	vst.msk $0xffff, v6;
	s15 =	sadd.s32 $0x80, s15  }
0x41: {  	s17 =	sadd.s32 $0x4, s17;
	v1 =	vld [tilespmem:s15+$0x30];
	[tilespmem:s14+$0x1830 ss:$0x81] =	vst.msk $0xffff, v7  }
.Ltmp4:
0x42: {  	_ = 	snop;
	(pc) =	sbr.rel .LBB1_4-.Ltmp4, $1  }
0x43: {  	_ =	sdelay $0x3  }
.LBB1_6:
0x44: {  	_ =	sfence.sel $0x180000  }
0x45: {  	s2 =	simm.s32 $0x1;
	[bflag:$0x0] =	sbarrier.arrive $0xFFFF  }
0x46: {  	s31 =	simm.s32 $0x2;
	[sflag:s2] =	ssyncpa.u1 $0x1  }
0x47: {  	[sflag:s31] =	ssyncpa.u1 $0x1  }
0x48: {  	p0 =	sne.s32 s0, $0x0;
	_ =	strace $0x90000047  }
0x49: {  	s0 =	sadd.s32 @!p0 $0x100000, s1;
	[bflag:$0x2] =	sbarrier.arrive $0xFFFF  }
0x4a: {  	[sflag:s0] =	ssyncadd.tile.s32 @!p0 $0x1;
	_ =	shalt  }
.Lfunc_end1:
_tile_overlayer_lowered:
.L_overlay_start_2:
0x4b: {  	(tag) =	ssettag $0x2  }
0x4c: {  	s0 =	rddreg [dreg:$0x0];
	s2 =	stileid.u32  }
0x4d: {  	s1 =	rddreg [dreg:$0x1];
	p0 =	sne.s32 s2, $0x0  }
0x4e: {  	s3 =	rddreg [dreg:$0x2];
	[bflag:$0x3] =	sbarrier.arrive $0xFFFF;
	s2 =	simm.s32 @!p0 $0x1C01  }
0x4f: {  	[timem:s3], [sflag:s2] =	dma.local @!p0 [hbm:s0], s1  }
0x50: {  	s0 =	simm.s32 @!p0 $0x1  }
0x51: {  	_ =	swait.ge @!p0 [sflag:s0], s1  }
0x52: {  	s1 =	ssub.s32 @!p0 $0x0, s1;
	[sflag:s0] =	ssyncset.done @!p0 $0x0  }
0x53: {  	[sflag:s0] =	ssyncadd.s32 @!p0 s1  }
0x54: {  	[bflag:$0x3] =	sbarrier.arrive $0xFFFF  }
0x55: {  	_ =	shalt  }

// kernel: sparse-core-data-format-call.cloned.1.call-start
scs
called_computation_lowered:
.L_overlay_start_0:
0x0: {  	s1 =	sld [smem:$0x3FD9]  }
0x1: {  	s2 =	sld [smem:$0x3FFE];
	_ =	sdelay $0x1  }
0x2: {  	s3 =	srdreg.scid  }
0x3: {  	s0 =	sand.u32 $0x1, s3  }
0x4: {  	s17 =	sshll.u32 s0, $0xA;
	s1 =	sadd.s32 s2, s1  }
0x5: {  	s1 =	sadd.s32 s1, s17  }
0x6: {  	[smem:$0x3FB8] =	sst s1  }
0x7: {  	_ = 	snop  }
0x8: {  	(tm) =	ssettm $0x1  }
0x9: {  	s18 =	sld [smem:$0x3FFB];
	_ =	sdelay $0x3  }
0xa: {  	_ =	strace s18  }
0xb: {  	s1 =	sld [smem:$0x3FFC];
	_ =	sdelay $0x3  }
0xc: {  	_ =	strace s1  }
0xd: {  	s1 =	sld [smem:$0x3FFD];
	_ =	sdelay $0x3  }
0xe: {  	_ =	strace s1  }
0xf: {  	_ =	strace $0x8FFFFFFF  }
0x10: {  	s19 =	sld [smem:$0x3FDB];
	_ =	sdelay $0x1  }
0x11: {  	s20 =	simm.s32 $_scs_section_size  }
0x12: {  	s4 =	simm.s32 $_size__tile_overlayer_lowered;
	s5 =	simm.s32 $_tile_overlayer_lowered  }
0x13: {  	s23 =	simm.s32 $0x1BFF;
	s22 =	sshll.u32 s5, $0x1;
	s1 =	sadd.s32 s20, s19  }
0x14: {  	s6 =	simm.s32 $0x0;
	s21 =	sshll.u32 s4, $0x1;
	s4 =	sadd.s32 s22, s1  }
0x15: {  	[timem:s6], [sflag:s23] =	dma.local [hbm:s4], s21  }
0x16: {  	_ =	swait.ge [sflag:s23], s21  }
0x17: {  	s2 =	ssub.s32 $0x0, s21;
	[sflag:s23] =	ssyncset.done $0x0  }
0x18: {  	[sflag:s23] =	ssyncadd.s32 s2;
	_ =	sdelay $0x1  }
0x19: {  	s24 =	simm.s32 $0x1B8B  }
0x1a: {  	_ =	swait.ge [sflag:s24], $0x1  }
0x1b: {  	[sflag:s24] =	ssyncset.done $0x0  }
0x1c: {  	s26 =	simm.s32 $0x1B8E;
	s25 =	sld [smem:$0x3FFE];
	[sflag:s24] =	ssyncadd.s32 $0xFFFFFFFF  }
0x1d: {  	s27 =	simm.s32 $execute0_lowered;
	[smem:$0x3FD2] =	sst s26  }
0x1e: {  	s4 =	sshll.u32 s27, $0x1;
	_ =	strace $0x80000049;
	[dreg:$0x1] =	wrdreg $0xFFFFFFFF  }
0x1f: {  	s28 =	simm.s32 $_size_execute0_lowered;
	s1 =	sadd.s32 s1, s4;
	[dreg:$0x0] =	wrdreg $0x0  }
0x20: {  	s4 =	sshll.u32 s28, $0x1;
	[dreg:$0x2] =	wrdreg s1  }
0x21: {  	[dreg:$0x3] =	wrdreg s4  }
0x22: {  	[dreg:$0x4] =	wrdreg $0xC0  }
0x23: {  	_ =	task [dreg:s6], $0x5FFFF  }
0x24: {  	[dreg:$0x1] =	wrdreg $0xFFFFFFFF  }
0x25: {  	[dreg:$0x0] =	wrdreg $0x60  }
0x26: {  	[dreg:$0x2] =	wrdreg s25  }
0x27: {  	[dreg:$0x3] =	wrdreg $0x9  }
0x28: {  	_ =	task.clear_ibuf [dreg:s6], $0x4FFFF;
	_ =	strace $0x90000049  }
0x29: {  	s29 =	simm.s32 $0x9;
	_ =	strace $0x8000004B  }
0x2a: {  	_ =	swait.ge [sflag:s29], $0x1  }
0x2b: {  	[sflag:s29] =	ssyncadd.s32 $0xFFFFFFFF  }
0x2c: {  	_ =	strace $0x9000004B  }
0x2d: {  	_ =	sfence  }
0x2e: {  	s30 =	sld [smem:$0x0];
	_ =	sdelay $0x2  }
0x2f: {  	s31 =	sshll.u32 s3, $0xD;
	s3 =	sshrl.u32 s3, $0x2  }
0x30: {  	s2 =	sand.u32 $0x4000, s31;
	s1 =	sadd.s32 s3, s30  }
0x31: {  	s0 =	sor.u32 s2, s0;
	s1 =	sshll.u32 s1, $0x11  }
0x32: {  	s0 =	sor.u32 s1, s0  }
0x33: {  	s0 =	sadd.s32 $0x8F2B, s0  }
0x34: {  	[sflag:s0] =	ssyncadd.remote.s32 $0x1  }
0x35: {  	_ =	sfence.sel $0xFFFF  }
0x36: {  	[dreg:$0x0] =	wrdreg $0xFFFFFFFF;
	(pc) =	sbr.abs _section_cstart, $3  }
0x37: {  	[dreg:$0x1] =	wrdreg $0xFFFFFFFF  }
0x38: {  	_ =	task.clear_ibuf [dreg:s6], $0x2FFFF;
	_ =	strace $0x9FFFFFFF  }
0x39: {  	(tm) =	ssettm $0x7FFFFFFF  }
tec
execute0_lowered:
.L_overlay_start_1:
0x0: {  	(tag) =	ssettag $0x1  }
0x1: {  	s0 =	stileid.u32  }
0x2: {  	s1 =	srdreg.scid;
	s6 =	rddreg [dreg:$0x0];
	s8 =	simm.s32 $0x1  }
0x3: {  	s30 =	simm.s32 $0x2;
	s18 =	simm.s32 $0x0;
	s10 =	simm.s32 $0x100  }
0x4: {  	s11 =	simm.s32 $0xC000;
	s17 =	simm.s32 $0x0;
	s20 =	simm.s32 $0x0  }
0x5: {  	s19 =	simm.s32 $0x0;
	s2 =	sshll.u32 s0, $0x5;
	s1 =	sshll.u32 s1, $0x9  }
0x6: {  	s12 =	simm.s32 $0x0;
	s13 =	simm.s32 $0x0;
	s1 =	sor.u32 s2, s1  }
0x7: {  	s14 =	simm.s32 $0x0;
	s15 =	simm.s32 $0x0;
	s2 =	sand.u32 $0x380, s1  }
0x8: {  	s16 =	simm.s32 $0x0;
	s3 =	sand.u32 $0x3, s0;
	s5 =	ssub.s32 $0x400, s2  }
0x9: {  	s7 =	sshll.u32 s3, $0xE;
	s1 =	rddreg [dreg:$0x1];
	s4 =	sand.u32 $0x380, s5  }
0xa: {  	_ =	strace $0x8000004A;
	s7 =	sadd.s32 s7, s6;
	p0 =	sne.s32 s4, $0x0  }
.Ltmp0:
0xb: {  	s5 =	sshrl.u32 s5, $0xA;
	s8 =	simm.s32 @!p0 $0x0;
	(pc) =	sbr.rel .LBB1_1-.Ltmp0, $4  }
0xc: {  	s6 =	sadd.s32 $0x34000, s6;
	s9 =	sshll.u32 s2, $0x4;
	s5 =	sadd.s32 s8, s5  }
0xd: {  	s31 =	sadd.s32 s9, s7;
	s4 =	simm.s32 $0x1;
	s5 =	smul.u32 $0x3F, s5  }
0xe: {  	s7 =	sadd.s32 $0x2B4000, s31;
	[sflag:s4] =	ssyncpa.u1 $0x0;
	p0 =	por $0x0, $0x0  }
0xf: {  	[sflag:s30] =	ssyncpa.u1 $0x0;
	s8 =	sadd.s32 $0x2E4000, s31;
	s9 =	sadd.s32 $0x1, s5  }
.LBB1_7:
0x10: {  	p1 =	slt.u32 s16, $0x2  }
0x11: {  	p2 =	sgt.s32 @!p1 s18, $0x2  }
0x12: {  	s19 =	smov.u32 s18;
	s20 =	sshra.s32 @!p1 s18, $0x1F;
	p2 =	por !p2, p1  }
0x13: {  	s21 =	sshra.s32 @!p1 s17, $0x1F;
	s19 =	simm.s32 @p2 $0x2;
	p2 =	sgt.s32 @!p1 s17, $0x2E  }
0x14: {  	s18 =	sand.u32 @!p1 s20, s18;
	s20 =	smov.u32 s17;
	p2 =	por !p2, p1  }
0x15: {  	s17 =	sand.u32 @!p1 s21, s17;
	s18 =	ssub.s32 @!p1 s19, s18;
	s20 =	simm.s32 @p2 $0x2E  }
0x16: {  	s22 =	smov.u32 s15;
	s19 =	sadd.s32 @!p1 $0xFFFFFFFE, s18;
	s17 =	ssub.s32 @!p1 s20, s17  }
0x17: {  	s18 =	ssub.s32 @!p1 $0x3, s18;
	p2 =	sgt.s32 @!p1 s19, $0x0;
	s17 =	sadd.s32 @!p1 $0xFFFFFFD2, s17  }
0x18: {  	s18 =	smul.u32 @!p1 $0x14, s18;
	p3 =	sgt.s32 @!p1 s17, $0x1;
	s17 =	sshll.u32 @!p1 s17, $0x7  }
0x19: {  	p2 =	por !p2, p1;
	s17 =	ssub.s32 @!p1 $0x100, s17;
	p3 =	por !p3, p1  }
0x1a: {  	s21 =	sadd.s32 $0x1, s14;
	s18 =	simm.s32 @!p2 $0x0;
	s17 =	simm.s32 @!p3 $0x0  }
0x1b: {  	p2 =	sgt.s32 s21, $0x2;
	s17 =	smul.u32 @!p1 s18, s17;
	s18 =	sadd.s32 $0x2, s15  }
0x1c: {  	s22 =	smov.u32 @p2 s18  }
0x1d: {  	p0 =	por !p0, !p0;
	s21 =	simm.s32 @p2 $0x0;
	p2 =	sgt.s32 s22, $0x29  }
0x1e: {  	s19 =	simm.s32 @!p1 $0x2;
	s22 =	simm.s32 @p2 $0x0;
	p2 =	sne.s32 s16, s9  }
.Ltmp1:
0x1f: {  	s18 =	smov.u32 s12;
	s17 =	sand.u32 @!p1 $0x3FFFFE00, s17;
	(pc) =	sbr.rel @!p2 .LBB1_8-.Ltmp1, $4  }
0x20: {  	s12 =	smov.u32 s14;
	s14 =	smov.u32 s21;
	_ =	swait.ge @!p1 [sflag:s19], s17  }
0x21: {  	s20 =	ssub.s32 @!p1 $0x0, s17;
	s17 =	smov.u32 s13;
	s16 =	sadd.s32 $0x1, s16  }
0x22: {  	s13 =	smov.u32 s15;
	[sflag:s19] =	ssyncset.done @!p1 $0x0;
	s15 =	smov.u32 s22  }
0x23: {  	[sflag:s19] =	ssyncadd.s32 @!p1 s20;
	s20 =	smov.u32 s2;
	s19 =	smov.u32 s3  }
.LBB1_1:
0x24: {  	p1 =	sge.u32 s16, s5  }
0x25: {  	s22 =	smul.u32 @!p1 $0x30000, s15  }
0x26: {  	s21 =	sxor.u32 @!p1 $0xFFFFFFFF, s16;
	s23 =	sshll.u32 @!p1 s14, $0x10;
	s25 =	simm.s32 @!p1 $0x20  }
0x27: {  	s26 =	simm.s32 @!p1 $0x80;
	s21 =	sshll.u32 @!p1 s21, $0xD;
	s24 =	sadd.s32 @!p1 s22, s23  }
0x28: {  	s21 =	sand.u32 @!p1 $0x2000, s21;
	s22 =	sadd.s32 @!p1 s22, s8;
	s24 =	sadd.s32 @!p1 s7, s24  }
0x29: {  	[tilespmem:s21], [sflag:$0x1] =	stream.strided.gather @!p1 [hbm4b:s24+s25], $0x1000, s26, s25, $0x38;
	[tilespmem:$0x8080] =	vst v63  }
0x2a: {  	s31 =	sadd.s32 $0xFFFFFFFF, s16;
	s22 =	sadd.s32 @!p1 s23, s22;
	s21 =	sor.u32 @!p1 $0x1000, s21  }
0x2b: {  	[tilespmem:s21], [sflag:$0x1] =	stream.strided.gather @!p1 [hbm4b:s22+s25], $0x1000, s26, s25, $0x38;
	[tilespmem:$0x8080] =	vst v63  }
0x2c: {  	p1 =	sge.u32 s31, s5  }
.Ltmp2:
0x2d: {  	_ = 	snop;
	(pc) =	sbr.rel @p1 .LBB1_7-.Ltmp2, $1  }
0x2e: {  	_ =	sdelay $0x3  }
0x2f: {  	s21 =	simm.s32 $0x1;
	s23 =	sand.u32 $0x1, s16  }
0x30: {  	_ =	swait.ge [sflag:s4], $0x2000;
	s21 =	simm.s32 @!p0 $0x0;
	s23 =	smul.u32 $0x8100, s23  }
0x31: {  	p2 =	por $0x1, $0x1;
	[sflag:s4] =	ssyncset.done $0x0;
	s22 =	smul.u32 $0x8100, s21  }
0x32: {  	s24 =	sshll.u32 s21, $0xF;
	[sflag:s4] =	ssyncadd.s32 $0xFFFFE000;
	s30 =	sshrl.u32 s23, $0x2  }
0x33: {  	s31 =	sshrl.u32 s24, $0x2;
	s24 =	simm.s32 $0x0;
	s22 =	sshrl.u32 s22, $0x2  }
0x34: {  	s21 =	sor.u32 $0x4000, s30;
	s23 =	sadd.s32 $0x10, s31;
	s22 =	sor.u32 $0x4000, s22  }
.LBB1_3:
0x35: {  	s25 =	sshll.u32 s24, $0xC  }
0x36: {  	s25 =	sand.u32 $0x3FFFF000, s25  }
0x37: {  	s26 =	sadd.s32 s25, s23  }
0x38: {  	s31 =	smul.u32 $0x204, s24;
	v1 =	vld [tilespmem:s26+$0x0]  }
0x39: {  	v0 =	vld [tilespmem:s26+$0xFFFFFFF0]  }
0x3a: {  	s24 =	sshra.s32 s31, $0x2  }
0x3b: {  	s24 =	sadd.s32 s24, s22  }
0x3c: {  	s27 =	sadd.s32 $0x0, s24  }
0x3d: {  	p1 =	por p2, p2;
	s25 =	simm.s32 $0x4;
	s26 =	sadd.s32 $0x20, s26;
	[tilespmem:s27+$0x1020 ss:$0x102] =	vst.msk $0xffff, v1  }
.LBB1_4:
0x3e: {  	v1 =	vld [tilespmem:s26+$0x0];
	p2 =	sne.s32 s25, $0x1FC;
	[tilespmem:s27+$0x0 ss:$0x102] =	vst.msk $0xffff, v0;
	s27 =	smov.u32 s25;
	s25 =	sadd.s32 $0x4, s25  }
.Ltmp3:
0x3f: {  	v0 =	vld [tilespmem:s26+$0xFFFFFFF0];
	(pc) =	sbr.rel @p2 .LBB1_4-.Ltmp3, $4  }
0x40: {  	_ = 	snop  }
0x41: {  	s27 =	sshra.s32 s27, $0x2  }
0x42: {  	s27 =	sadd.s32 s27, s24  }
0x43: {  	s26 =	sadd.s32 $0x20, s26;
	[tilespmem:s27+$0x1020 ss:$0x102] =	vst.msk $0xffff, v1  }
.Ltmp4:
0x44: {  	(pc) =	sbr.rel @p1 .LBB1_3-.Ltmp4, $2  }
0x45: {  	_ =	sdelay $0x2  }
0x46: {  	[tilespmem:s27+$0x0 ss:$0x102] =	vst.msk $0xffff, v0;
	s24 =	simm.s32 $0x1;
	p2 =	por $0x0, $0x0  }
0x47: {  	s22 =	sshll.u32 s13, $0xA;
	s20 =	sshll.u32 s20, $0x3  }
0x48: {  	p1 =	sgt.s32 s12, $0x2;
	s23 =	smov.u32 s12;
	s30 =	smul.u32 $0x1E000, s12  }
0x49: {  	s24 =	sshra.s32 s12, $0x1F;
	s26 =	sshra.s32 s13, $0x1F;
	s19 =	smul.u32 $0x5A000, s19  }
0x4a: {  	s22 =	sand.u32 $0xFFFFE000, s22;
	s23 =	simm.s32 @!p1 $0x2;
	s25 =	sand.u32 s24, s12  }
0x4b: {  	p1 =	sgt.s32 s13, $0x2E;
	s24 =	sand.u32 s26, s13;
	s26 =	sshll.u32 s13, $0x4  }
0x4c: {  	s20 =	sor.u32 s22, s20;
	s22 =	ssub.s32 s23, s25;
	s23 =	smov.u32 s13  }
0x4d: {  	s25 =	ssub.s32 $0x3, s22;
	s23 =	simm.s32 @!p1 $0x2E;
	s22 =	sadd.s32 $0xFFFFFFFE, s22  }
0x4e: {  	s20 =	sshrl.u32 s20, $0xA;
	s25 =	smul.u32 $0x14, s25;
	s23 =	ssub.s32 s23, s24  }
0x4f: {  	p1 =	sgt.s32 s22, $0x0;
	s28 =	smulhi.u32 $0x5555556, s20;
	s27 =	sadd.s32 $0xFFFFFFD2, s23  }
0x50: {  	s26 =	sand.u32 $0x70, s26;
	s25 =	simm.s32 @p1 $0x0;
	s29 =	sshll.u32 s27, $0x7  }
0x51: {  	p1 =	sgt.s32 s27, $0x1;
	s23 =	smul.u32 $0x30, s28;
	s22 =	ssub.s32 $0x100, s29  }
.Ltmp5:
0x52: {  	s24 =	sadd.s32 s6, s30;
	s22 =	simm.s32 @p1 $0x0;
	(pc) =	sbr.rel .LBB1_7-.Ltmp5, $4  }
0x53: {  	s31 =	sadd.s32 s26, s24;
	s20 =	ssub.s32 s20, s23;
	s22 =	smul.u32 s25, s22  }
0x54: {  	s19 =	sadd.s32 s19, s31;
	s20 =	sshll.u32 s20, $0x7  }
0x55: {  	s19 =	sadd.s32 s20, s19;
	s22 =	sand.u32 $0x3FFFFE00, s22  }
0x56: {  	[hbm4b:s19+s10] =	stream.strided.scatter [tilespmem:s21], [sflag:$0x2], s22, s11, s10, $0x20;
	[tilespmem:$0x8080] =	vst v63  }
.LBB1_8:
0x57: {  	_ =	sfence.sel $0x180000  }
0x58: {  	s2 =	simm.s32 $0x1;
	[bflag:$0x0] =	sbarrier.arrive $0xFFFF  }
0x59: {  	s31 =	simm.s32 $0x2;
	[sflag:s2] =	ssyncpa.u1 $0x1  }
0x5a: {  	[sflag:s31] =	ssyncpa.u1 $0x1  }
0x5b: {  	p0 =	sne.s32 s0, $0x0;
	_ =	strace $0x9000004A  }
0x5c: {  	s0 =	sadd.s32 @!p0 $0x100000, s1;
	[bflag:$0x2] =	sbarrier.arrive $0xFFFF  }
0x5d: {  	[sflag:s0] =	ssyncadd.tile.s32 @!p0 $0x1;
	_ =	shalt  }
.Lfunc_end1:
_tile_overlayer_lowered:
.L_overlay_start_2:
0x5e: {  	(tag) =	ssettag $0x2  }
0x5f: {  	s0 =	rddreg [dreg:$0x0];
	s2 =	stileid.u32  }
0x60: {  	s1 =	rddreg [dreg:$0x1];
	p0 =	sne.s32 s2, $0x0  }
0x61: {  	s3 =	rddreg [dreg:$0x2];
	[bflag:$0x3] =	sbarrier.arrive $0xFFFF;
	s2 =	simm.s32 @!p0 $0x1C01  }
0x62: {  	[timem:s3], [sflag:s2] =	dma.local @!p0 [hbm:s0], s1  }
0x63: {  	s0 =	simm.s32 @!p0 $0x1  }
0x64: {  	_ =	swait.ge @!p0 [sflag:s0], s1  }
0x65: {  	s1 =	ssub.s32 @!p0 $0x0, s1;
	[sflag:s0] =	ssyncset.done @!p0 $0x0  }
0x66: {  	[sflag:s0] =	ssyncadd.s32 @!p0 s1  }
0x67: {  	[bflag:$0x3] =	sbarrier.arrive $0xFFFF  }
0x68: {  	_ =	shalt  }

</sc_bundles>
